<compile_context>
chip_gen: v7x
topology: tpu7x:2x2x1
jax: 0.10.2.dev20260603
libtpu: 0.0.44.dev20260713+nightly
codegen_flags: <defaults>
</compile_context>

<pallas_src>
import functools

import jax
import jax.numpy as jnp
from jax import lax
from jax.experimental import pallas as pl
from jax.experimental.pallas import tpu as pltpu
from jax.experimental.pallas import tpu_sc as plsc

B = 1024
D_EMB = 128
NUM_CODEBOOKS = 4
CODEBOOK_SIZE = 256
CODE_DIM = 32
CORPUS = 100000
_ROWS = 782
_PAD = _ROWS * 128 - CORPUS


def _first_argmin(vals, iota_k):
    m = jnp.min(vals, axis=1, keepdims=True)
    big = jnp.int32(2**30)
    return jnp.min(jnp.where(vals == m, iota_k, big), axis=1, keepdims=True)


def _quant_kernel(x_ref, cb_ref, sem_ref, q_ref, key_ref):
    c = pl.program_id(0)
    iota_k = lax.broadcasted_iota(jnp.int32, (B, CODEBOOK_SIZE), 1)
    z = x_ref[0]
    cb = cb_ref[0]
    cn_col = jnp.sum(cb * cb, axis=1, keepdims=True)
    cb_aug = jnp.concatenate([-2.0 * cb, cn_col], axis=1)
    z_aug = jnp.concatenate(
        [z, jnp.ones((B, 1), dtype=jnp.float32)], axis=1)
    score = lax.dot_general(z_aug, cb_aug, (((1,), (1,)), ((), ())),
                            precision=lax.Precision.HIGHEST,
                            preferred_element_type=jnp.float32)

    masked = score
    cand_idx = []
    cand_dist = []
    for _ in range(4):
        ij = _first_argmin(masked, iota_k)
        masked = jnp.where(iota_k == ij, jnp.inf, masked)
        oh = (iota_k == ij).astype(jnp.float32)
        row = lax.dot_general(oh, cb, (((1,), (0,)), ((), ())),
                              precision=lax.Precision.HIGHEST,
                              preferred_element_type=jnp.float32)
        diff = z - row
        e = jnp.sum(diff * diff, axis=1, keepdims=True)
        cand_idx.append(ij)
        cand_dist.append(e)

    best_i = cand_idx[0]
    best_d = cand_dist[0]
    for j in range(1, 4):
        better = (cand_dist[j] < best_d) | (
            (cand_dist[j] == best_d) & (cand_idx[j] < best_i))
        best_i = jnp.where(better, cand_idx[j], best_i)
        best_d = jnp.where(better, cand_dist[j], best_d)

    oh_best = (iota_k == best_i).astype(jnp.float32)
    q_rows = lax.dot_general(oh_best, cb, (((1,), (0,)), ((), ())),
                             precision=lax.Precision.HIGHEST,
                             preferred_element_type=jnp.float32)
    for cc in range(NUM_CODEBOOKS):
        @pl.when(c == cc)
        def _():
            q_ref[:, cc * CODE_DIM:(cc + 1) * CODE_DIM] = q_rows
            sem_ref[:, cc:cc + 1] = best_i

    @pl.when(c == 0)
    def _():
        key_ref[:] = best_i

    @pl.when(c != 0)
    def _():
        key_ref[:] = key_ref[:] * 256 + best_i


_NW = 32
_SHARD = 3200
_NCHUNK = _SHARD // 16
_M = 8192
_EMPTY = -(2**31)
_HMUL = -1640531527


def _sc_hash(k):
    return lax.shift_right_logical(k * jnp.int32(_HMUL), jnp.int32(19))


def _sc_hits_kernel(qk_hbm, c0_hbm, c1_hbm, c2_hbm, c3_hbm, einit_hbm,
                    out_hbm, qk_v, c0_v, c1_v, c2_v, c3_v, table_v, hits_v):
    nc = 2
    wid = lax.axis_index("s") * jnp.int32(nc) + lax.axis_index("c")
    base = wid * jnp.int32(_SHARD)
    pltpu.sync_copy(qk_hbm, qk_v)
    pltpu.sync_copy(c0_hbm.at[pl.ds(base, _SHARD)], c0_v)
    pltpu.sync_copy(c1_hbm.at[pl.ds(base, _SHARD)], c1_v)
    pltpu.sync_copy(c2_hbm.at[pl.ds(base, _SHARD)], c2_v)
    pltpu.sync_copy(c3_hbm.at[pl.ds(base, _SHARD)], c3_v)

    pltpu.sync_copy(einit_hbm, table_v)
    emp = jnp.int32(_EMPTY)
    one = jnp.full((16,), 1, dtype=jnp.int32)
    zero = jnp.full((16,), 0, dtype=jnp.int32)
    mmask = jnp.int32(_M - 1)

    def any_pos(v):
        return jnp.max(v, axis=0) > 0

    def insert_cond(st):
        _, pend = st
        return any_pos(pend)

    def build_chunk(j, has_e):
        o = j * jnp.int32(16)
        k0 = c0_v[pl.ds(o, 16)]
        k1 = c1_v[pl.ds(o, 16)]
        k2 = c2_v[pl.ds(o, 16)]
        k3 = c3_v[pl.ds(o, 16)]
        n256 = jnp.int32(256)
        k = ((k0 * n256 + k1) * n256 + k2) * n256 + k3
        is_e = jnp.where(k == emp, one, zero)
        has_e = jnp.maximum(has_e, is_e)

        def insert_body(st):
            slot, pend = st
            t = plsc.load_gather(table_v, [slot])
            empty_i = jnp.where(t == emp, pend, zero)
            plsc.store_scatter(table_v, [slot], k, mask=empty_i > 0)
            t2 = plsc.load_gather(table_v, [slot])
            done_i = jnp.where(t2 == k, pend, zero)
            pend2 = pend - done_i
            slot2 = jnp.where(pend2 > 0,
                              (slot + jnp.int32(1)) & mmask, slot)
            return slot2, pend2

        st = (_sc_hash(k), one - is_e)
        st = insert_body(st)
        st = insert_body(st)
        lax.while_loop(insert_cond, insert_body, st)
        return has_e

    has_e_vec = lax.fori_loop(jnp.int32(0), jnp.int32(_NCHUNK), build_chunk,
                              jnp.zeros((16,), jnp.int32))
    has_e_cnt = plsc.all_reduce_population_count(has_e_vec > 0)

    def probe_cond(st):
        _, live, _ = st
        return any_pos(live)

    def probe_chunk(j, carry):
        o = j * jnp.int32(16)
        q = qk_v[pl.ds(o, 16)]
        q_e = jnp.where(q == emp, one, zero)
        hit0 = jnp.minimum(q_e, has_e_cnt)
        live0 = one - q_e

        def probe_body(st):
            slot, live, hit = st
            t = plsc.load_gather(table_v, [slot])
            m_i = jnp.where(t == q, live, zero)
            e_i = jnp.where(t == emp, live, zero)
            hit2 = jnp.maximum(hit, m_i)
            live2 = live - jnp.maximum(m_i, e_i)
            slot2 = jnp.where(live2 > 0,
                              (slot + jnp.int32(1)) & mmask, slot)
            return slot2, live2, hit2

        st = (_sc_hash(q), live0, hit0)
        st = probe_body(st)
        st = probe_body(st)
        _, _, hit = lax.while_loop(probe_cond, probe_body, st)
        hits_v[pl.ds(o, 16)] = hit
        return carry

    lax.fori_loop(jnp.int32(0), jnp.int32(B // 16), probe_chunk, jnp.int32(0))
    pltpu.sync_copy(hits_v, out_hbm.at[wid])


def _merge_kernel(m_ref, h_ref):
    h_ref[:] = jnp.max(m_ref[:], axis=0, keepdims=True)


@functools.partial(jax.jit, static_argnames=())
def kernel(x_emb, codebook, cached_ids):
    x = x_emb.astype(jnp.float32)
    cb = codebook.astype(jnp.float32)
    x_split = x.reshape(B, NUM_CODEBOOKS, CODE_DIM).transpose(1, 0, 2)

    sem_t, q_split, qkey = pl.pallas_call(
        _quant_kernel,
        grid=(NUM_CODEBOOKS,),
        in_specs=[
            pl.BlockSpec((1, B, CODE_DIM), lambda c: (c, c * 0, c * 0)),
            pl.BlockSpec((1, CODEBOOK_SIZE, CODE_DIM),
                         lambda c: (c, c * 0, c * 0)),
        ],
        out_specs=(
            pl.BlockSpec((B, NUM_CODEBOOKS), lambda c: (c * 0, c * 0)),
            pl.BlockSpec((B, D_EMB), lambda c: (c * 0, c * 0)),
            pl.BlockSpec((B, 1), lambda c: (c * 0, c * 0)),
        ),
        out_shape=(
            jax.ShapeDtypeStruct((B, NUM_CODEBOOKS), jnp.int32),
            jax.ShapeDtypeStruct((B, D_EMB), jnp.float32),
            jax.ShapeDtypeStruct((B, 1), jnp.int32),
        ),
    )(x_split, cb)
    quantized = q_split

    cached32 = cached_ids.astype(jnp.int32)
    n_pad = _NW * _SHARD - CORPUS
    pad = jnp.broadcast_to(cached32[0], (n_pad, NUM_CODEBOOKS))
    corpus = jnp.concatenate([cached32, pad], axis=0)

    sc_hits = pl.kernel(
        _sc_hits_kernel,
        out_type=jax.ShapeDtypeStruct((_NW, B), jnp.int32),
        mesh=plsc.VectorSubcoreMesh(core_axis_name="c", subcore_axis_name="s"),
        compiler_params=pltpu.CompilerParams(needs_layout_passes=False),
        scratch_types=[
            pltpu.VMEM((B,), jnp.int32),
            pltpu.VMEM((_SHARD,), jnp.int32),
            pltpu.VMEM((_SHARD,), jnp.int32),
            pltpu.VMEM((_SHARD,), jnp.int32),
            pltpu.VMEM((_SHARD,), jnp.int32),
            pltpu.VMEM((_M,), jnp.int32),
            pltpu.VMEM((B,), jnp.int32),
        ],
    )
    einit = jnp.full((_M,), jnp.int32(_EMPTY), dtype=jnp.int32)
    partial_hits = sc_hits(qkey.reshape(B), corpus[:, 0], corpus[:, 1],
                           corpus[:, 2], corpus[:, 3], einit)

    hits_m = pl.pallas_call(
        _merge_kernel,
        out_shape=jax.ShapeDtypeStruct((1, B), jnp.int32),
    )(partial_hits)

    sem_ids = sem_t.astype(jnp.int64)
    hits = hits_m.reshape(B) > 0
    token_type_ids = jnp.tile(
        jnp.arange(NUM_CODEBOOKS, dtype=jnp.int64)[None, :], (B, 1))
    return sem_ids, quantized, hits, token_type_ids

# --- scband reference (transcript-rebuilt; emitter-appended) ---
"""Pipeline reference for scband-pq-vae-tokenizer-89807766159468 (READ-ONLY COPY).

The authoritative reference and input builder live on the scoring server;
editing this copy changes nothing except your own understanding.
"""

import jax, jax.numpy as jnp
import numpy as np

jax.config.update('jax_enable_x64', True)

B = 1024
D_EMB = 128
NUM_CODEBOOKS = 4
CODEBOOK_SIZE = 256
CODE_DIM = 32
CORPUS = 100000
BATCH_SIZE = 16  # matches module-level BATCH_SIZE used in exists_prefix


def setup_inputs(seed: int = 0) -> dict:
    key = jax.random.key(seed)
    k1, k2, k3 = jax.random.split(key, 3)
    x_emb = jax.random.normal(k1, (B, D_EMB), dtype=jnp.float32)
    codebook = jax.random.normal(k2, (NUM_CODEBOOKS, CODEBOOK_SIZE, CODE_DIM), dtype=jnp.float32)
    cached_ids = jax.random.randint(k3, (CORPUS, NUM_CODEBOOKS), 0, CODEBOOK_SIZE, dtype=jnp.int64)
    return {"x_emb": x_emb, "codebook": codebook, "cached_ids": cached_ids}


def _pq_get_semantic_ids(x_emb, codebook):
    # PQ-VAE quantization: split embedding into num_codebooks sub-vectors,
    # nearest-neighbor search in each codebook (the retrieval/kNN core of
    # pq_vae.get_semantic_ids used inside PqVaeTokenizer.forward).
    z = x_emb.reshape(x_emb.shape[0], NUM_CODEBOOKS, CODE_DIM)  # [B, C, d]
    # squared L2 distances: [B, C, K]
    dists = jnp.sum((z[:, :, None, :] - codebook[None, :, :, :]) ** 2, axis=-1)
    sem_ids = jnp.argmin(dists, axis=-1)  # [B, C] hierarchical semantic IDs
    # gather quantized codewords: quantized[b, c] = codebook[c, sem_ids[b, c]]
    quantized = codebook[jnp.arange(NUM_CODEBOOKS)[None, :], sem_ids]  # [B, C, d]
    return sem_ids, quantized.reshape(x_emb.shape[0], -1)


def _get_hits_vs_cache(sem_ids, cached_ids):
    # Faithful to _get_hits / exists_prefix: exact-match scan of query IDs
    # against the cached corpus, chunked by BATCH_SIZE like exists_prefix.
    outs = []
    n_chunks = (sem_ids.shape[0] + BATCH_SIZE - 1) // BATCH_SIZE
    for i in range(n_chunks):
        q = sem_ids[i * BATCH_SIZE:(i + 1) * BATCH_SIZE]  # [b, D]
        # (prefixes.unsqueeze(-2) == prefix_cache.unsqueeze(-3)).all(-1).any(-1)
        matches = (q[:, None, :] == cached_ids[None, :, :]).all(axis=-1).any(axis=-1)
        outs.append(matches)
    return jnp.concatenate(outs, axis=0)  # [B] bool


def reference(x_emb, codebook, cached_ids):
    sem_ids, quantized = _pq_get_semantic_ids(x_emb, codebook)
    hits = _get_hits_vs_cache(sem_ids, cached_ids)
    # token_type_ids as in forward: arange(D) repeated per batch row
    token_type_ids = jnp.tile(jnp.arange(NUM_CODEBOOKS, dtype=jnp.int64)[None, :], (sem_ids.shape[0], 1))
    return sem_ids, quantized, hits, token_type_ids

if __name__ == "__main__":
    import jax
    _d = setup_inputs()
    print(jax.jit(kernel)(*tuple(_d.values())))

</pallas_src>

<mosaic_0001>
#map = affine_map<(d0, d1) -> (0)>
#map1 = affine_map<(d0, d1) -> (0, 0)>
module attributes {stable_mosaic.version = 14 : i64} {
  func.func @_sc_hits_kernel(%arg0: i32, %arg1: i32, %arg2: memref<1024xi32, #tpu.memory_space<hbm>>, %arg3: memref<102400xi32, #tpu.memory_space<hbm>>, %arg4: memref<102400xi32, #tpu.memory_space<hbm>>, %arg5: memref<102400xi32, #tpu.memory_space<hbm>>, %arg6: memref<102400xi32, #tpu.memory_space<hbm>>, %arg7: memref<8192xi32, #tpu.memory_space<hbm>>, %arg8: memref<32x1024xi32, #tpu.memory_space<hbm>>, %arg9: memref<1024xi32, #tpu.memory_space<vmem>>, %arg10: memref<3200xi32, #tpu.memory_space<vmem>>, %arg11: memref<3200xi32, #tpu.memory_space<vmem>>, %arg12: memref<3200xi32, #tpu.memory_space<vmem>>, %arg13: memref<3200xi32, #tpu.memory_space<vmem>>, %arg14: memref<8192xi32, #tpu.memory_space<vmem>>, %arg15: memref<1024xi32, #tpu.memory_space<vmem>>) attributes {dimension_semantics = [#tpu.dimension_semantics<core_parallel>, #tpu.dimension_semantics<subcore_parallel>], iteration_bounds = array<i64: 2, 16>, scalar_prefetch = 0 : i64, scratch_operands = 7 : i64, tpu.core_type = #tpu.core_type<sc_vector_subcore>, window_params = [{transform_indices = #map}, {transform_indices = #map}, {transform_indices = #map}, {transform_indices = #map}, {transform_indices = #map}, {transform_indices = #map}, {transform_indices = #map1}]} {
    %mul3A = arith.constant 2 : i32
    %mul3A_0 = arith.muli %arg1, %mul3A : i32
    %add3A = arith.addi %mul3A_0, %arg0 : i32
    %mul3A_1 = arith.constant 3200 : i32
    %mul3A_2 = arith.muli %add3A, %mul3A_1 : i32
    "tpu.region"() ({
      %run_scoped3A = tpu.sem_alloc : memref<!tpu.dma_semaphore, #tpu.memory_space<semaphore_mem>>
      tpu.enqueue_dma source(%arg2 : memref<1024xi32, #tpu.memory_space<hbm>>) target(%arg9 : memref<1024xi32, #tpu.memory_space<vmem>>) target_semaphore(%run_scoped3A : memref<!tpu.dma_semaphore, #tpu.memory_space<semaphore_mem>>)
      tpu.wait_dma2 semaphore(%run_scoped3A : memref<!tpu.dma_semaphore, #tpu.memory_space<semaphore_mem>>) src(%arg2 : memref<1024xi32, #tpu.memory_space<hbm>>) dst(%arg9 : memref<1024xi32, #tpu.memory_space<vmem>>)
      tpu.yield
    }) : () -> ()
    "tpu.region"() ({
      %run_scoped3A = tpu.sem_alloc : memref<!tpu.dma_semaphore, #tpu.memory_space<semaphore_mem>>
      %dma_start3A = tpu.memref_slice %arg3[%mul3A_2] : memref<102400xi32, #tpu.memory_space<hbm>> -> memref<3200xi32, #tpu.memory_space<hbm>>
      %dma_start3A_36 = tpu.memref_slice %arg3[%mul3A_2] : memref<102400xi32, #tpu.memory_space<hbm>> -> memref<3200xi32, #tpu.memory_space<hbm>>
      tpu.enqueue_dma source(%dma_start3A_36 : memref<3200xi32, #tpu.memory_space<hbm>>) target(%arg10 : memref<3200xi32, #tpu.memory_space<vmem>>) target_semaphore(%run_scoped3A : memref<!tpu.dma_semaphore, #tpu.memory_space<semaphore_mem>>)
      %dma_wait3A = tpu.memref_slice %arg3[%mul3A_2] : memref<102400xi32, #tpu.memory_space<hbm>> -> memref<3200xi32, #tpu.memory_space<hbm>>
      %dma_wait3A_37 = tpu.memref_slice %arg3[%mul3A_2] : memref<102400xi32, #tpu.memory_space<hbm>> -> memref<3200xi32, #tpu.memory_space<hbm>>
      tpu.wait_dma2 semaphore(%run_scoped3A : memref<!tpu.dma_semaphore, #tpu.memory_space<semaphore_mem>>) src(%dma_wait3A_37 : memref<3200xi32, #tpu.memory_space<hbm>>) dst(%arg10 : memref<3200xi32, #tpu.memory_space<vmem>>)
      tpu.yield
    }) : () -> ()
    "tpu.region"() ({
      %run_scoped3A = tpu.sem_alloc : memref<!tpu.dma_semaphore, #tpu.memory_space<semaphore_mem>>
      %dma_start3A = tpu.memref_slice %arg4[%mul3A_2] : memref<102400xi32, #tpu.memory_space<hbm>> -> memref<3200xi32, #tpu.memory_space<hbm>>
      %dma_start3A_36 = tpu.memref_slice %arg4[%mul3A_2] : memref<102400xi32, #tpu.memory_space<hbm>> -> memref<3200xi32, #tpu.memory_space<hbm>>
      tpu.enqueue_dma source(%dma_start3A_36 : memref<3200xi32, #tpu.memory_space<hbm>>) target(%arg11 : memref<3200xi32, #tpu.memory_space<vmem>>) target_semaphore(%run_scoped3A : memref<!tpu.dma_semaphore, #tpu.memory_space<semaphore_mem>>)
      %dma_wait3A = tpu.memref_slice %arg4[%mul3A_2] : memref<102400xi32, #tpu.memory_space<hbm>> -> memref<3200xi32, #tpu.memory_space<hbm>>
      %dma_wait3A_37 = tpu.memref_slice %arg4[%mul3A_2] : memref<102400xi32, #tpu.memory_space<hbm>> -> memref<3200xi32, #tpu.memory_space<hbm>>
      tpu.wait_dma2 semaphore(%run_scoped3A : memref<!tpu.dma_semaphore, #tpu.memory_space<semaphore_mem>>) src(%dma_wait3A_37 : memref<3200xi32, #tpu.memory_space<hbm>>) dst(%arg11 : memref<3200xi32, #tpu.memory_space<vmem>>)
      tpu.yield
    }) : () -> ()
    "tpu.region"() ({
      %run_scoped3A = tpu.sem_alloc : memref<!tpu.dma_semaphore, #tpu.memory_space<semaphore_mem>>
      %dma_start3A = tpu.memref_slice %arg5[%mul3A_2] : memref<102400xi32, #tpu.memory_space<hbm>> -> memref<3200xi32, #tpu.memory_space<hbm>>
      %dma_start3A_36 = tpu.memref_slice %arg5[%mul3A_2] : memref<102400xi32, #tpu.memory_space<hbm>> -> memref<3200xi32, #tpu.memory_space<hbm>>
      tpu.enqueue_dma source(%dma_start3A_36 : memref<3200xi32, #tpu.memory_space<hbm>>) target(%arg12 : memref<3200xi32, #tpu.memory_space<vmem>>) target_semaphore(%run_scoped3A : memref<!tpu.dma_semaphore, #tpu.memory_space<semaphore_mem>>)
      %dma_wait3A = tpu.memref_slice %arg5[%mul3A_2] : memref<102400xi32, #tpu.memory_space<hbm>> -> memref<3200xi32, #tpu.memory_space<hbm>>
      %dma_wait3A_37 = tpu.memref_slice %arg5[%mul3A_2] : memref<102400xi32, #tpu.memory_space<hbm>> -> memref<3200xi32, #tpu.memory_space<hbm>>
      tpu.wait_dma2 semaphore(%run_scoped3A : memref<!tpu.dma_semaphore, #tpu.memory_space<semaphore_mem>>) src(%dma_wait3A_37 : memref<3200xi32, #tpu.memory_space<hbm>>) dst(%arg12 : memref<3200xi32, #tpu.memory_space<vmem>>)
      tpu.yield
    }) : () -> ()
    "tpu.region"() ({
      %run_scoped3A = tpu.sem_alloc : memref<!tpu.dma_semaphore, #tpu.memory_space<semaphore_mem>>
      %dma_start3A = tpu.memref_slice %arg6[%mul3A_2] : memref<102400xi32, #tpu.memory_space<hbm>> -> memref<3200xi32, #tpu.memory_space<hbm>>
      %dma_start3A_36 = tpu.memref_slice %arg6[%mul3A_2] : memref<102400xi32, #tpu.memory_space<hbm>> -> memref<3200xi32, #tpu.memory_space<hbm>>
      tpu.enqueue_dma source(%dma_start3A_36 : memref<3200xi32, #tpu.memory_space<hbm>>) target(%arg13 : memref<3200xi32, #tpu.memory_space<vmem>>) target_semaphore(%run_scoped3A : memref<!tpu.dma_semaphore, #tpu.memory_space<semaphore_mem>>)
      %dma_wait3A = tpu.memref_slice %arg6[%mul3A_2] : memref<102400xi32, #tpu.memory_space<hbm>> -> memref<3200xi32, #tpu.memory_space<hbm>>
      %dma_wait3A_37 = tpu.memref_slice %arg6[%mul3A_2] : memref<102400xi32, #tpu.memory_space<hbm>> -> memref<3200xi32, #tpu.memory_space<hbm>>
      tpu.wait_dma2 semaphore(%run_scoped3A : memref<!tpu.dma_semaphore, #tpu.memory_space<semaphore_mem>>) src(%dma_wait3A_37 : memref<3200xi32, #tpu.memory_space<hbm>>) dst(%arg13 : memref<3200xi32, #tpu.memory_space<vmem>>)
      tpu.yield
    }) : () -> ()
    "tpu.region"() ({
      %run_scoped3A = tpu.sem_alloc : memref<!tpu.dma_semaphore, #tpu.memory_space<semaphore_mem>>
      tpu.enqueue_dma source(%arg7 : memref<8192xi32, #tpu.memory_space<hbm>>) target(%arg14 : memref<8192xi32, #tpu.memory_space<vmem>>) target_semaphore(%run_scoped3A : memref<!tpu.dma_semaphore, #tpu.memory_space<semaphore_mem>>)
      tpu.wait_dma2 semaphore(%run_scoped3A : memref<!tpu.dma_semaphore, #tpu.memory_space<semaphore_mem>>) src(%arg7 : memref<8192xi32, #tpu.memory_space<hbm>>) dst(%arg14 : memref<8192xi32, #tpu.memory_space<vmem>>)
      tpu.yield
    }) : () -> ()
    %broadcast_in_dim3A = arith.constant 1 : i32
    %broadcast_in_dim3A_3 = vector.broadcast %broadcast_in_dim3A : i32 to vector<16xi32>
    %broadcast_in_dim3A_4 = arith.constant 0 : i32
    %broadcast_in_dim3A_5 = vector.broadcast %broadcast_in_dim3A_4 : i32 to vector<16xi32>
    %broadcast_in_dim3A_6 = arith.constant 0 : i32
    %broadcast_in_dim3A_7 = vector.broadcast %broadcast_in_dim3A_6 : i32 to vector<16xi32>
    %while3A = arith.constant -2147483648 : i32
    %while3A_8 = arith.constant 8191 : i32
    %while3A_9 = arith.constant 0 : i32
    %while3A_10 = arith.constant 200 : i32
    %while3A_11 = arith.subi %while3A_10, %while3A_9 : i32
    %while3A_12 = arith.addi %while3A_9, %while3A_11 : i32
    %while3A_13 = arith.constant 1 : i32
    %while3A_14 = arith.divsi %while3A_11, %while3A_13 : i32
    %while3A_15 = arith.muli %while3A_14, %while3A_13 : i32
    %while3A_16 = arith.addi %while3A_9, %while3A_15 : i32
    %while3A_17 = arith.constant 1 : i32
    %while3A_18 = scf.for %while3A_36 = %while3A_9 to %while3A_16 step %while3A_17 iter_args(%while3A_37 = %broadcast_in_dim3A_7) -> (vector<16xi32>)  : i32 {
      %mul3A_38 = arith.constant 16 : i32
      %mul3A_39 = arith.muli %while3A_36, %mul3A_38 : i32
      %get3A = arith.index_cast %mul3A_39 : i32 to index
      %get3A_40 = tpu.vector_load %arg10[%get3A] {strides = array<i32>} : memref<3200xi32, #tpu.memory_space<vmem>>, vector<16xi32>,
      %get3A_41 = arith.index_cast %mul3A_39 : i32 to index
      %get3A_42 = tpu.vector_load %arg11[%get3A_41] {strides = array<i32>} : memref<3200xi32, #tpu.memory_space<vmem>>, vector<16xi32>,
      %get3A_43 = arith.index_cast %mul3A_39 : i32 to index
      %get3A_44 = tpu.vector_load %arg12[%get3A_43] {strides = array<i32>} : memref<3200xi32, #tpu.memory_space<vmem>>, vector<16xi32>,
      %get3A_45 = arith.index_cast %mul3A_39 : i32 to index
      %get3A_46 = tpu.vector_load %arg13[%get3A_45] {strides = array<i32>} : memref<3200xi32, #tpu.memory_space<vmem>>, vector<16xi32>,
      %mul3A_47 = arith.constant 256 : i32
      %mul3A_48 = vector.broadcast %mul3A_47 : i32 to vector<16xi32>
      %mul3A_49 = arith.muli %get3A_40, %mul3A_48 : vector<16xi32>
      %add3A_50 = arith.addi %mul3A_49, %get3A_42 : vector<16xi32>
      %mul3A_51 = arith.constant 256 : i32
      %mul3A_52 = vector.broadcast %mul3A_51 : i32 to vector<16xi32>
      %mul3A_53 = arith.muli %add3A_50, %mul3A_52 : vector<16xi32>
      %add3A_54 = arith.addi %mul3A_53, %get3A_44 : vector<16xi32>
      %mul3A_55 = arith.constant 256 : i32
      %mul3A_56 = vector.broadcast %mul3A_55 : i32 to vector<16xi32>
      %mul3A_57 = arith.muli %add3A_54, %mul3A_56 : vector<16xi32>
      %add3A_58 = arith.addi %mul3A_57, %get3A_46 : vector<16xi32>
      %eq3A = vector.broadcast %while3A : i32 to vector<16xi32>
      %eq3A_59 = arith.cmpi eq, %add3A_58, %eq3A : vector<16xi32>
      %select_n3A = arith.select %eq3A_59, %broadcast_in_dim3A_3, %broadcast_in_dim3A_5 : vector<16xi1>, vector<16xi32>
      %max3A = arith.maxsi %while3A_37, %select_n3A : vector<16xi32>
      %mul3A_60 = arith.constant -1640531527 : i32
      %mul3A_61 = vector.broadcast %mul3A_60 : i32 to vector<16xi32>
      %mul3A_62 = arith.muli %add3A_58, %mul3A_61 : vector<16xi32>
      %shift_right_logical3A = arith.constant 19 : i32
      %shift_right_logical3A_63 = vector.broadcast %shift_right_logical3A : i32 to vector<16xi32>
      %shift_right_logical3A_64 = arith.shrui %mul3A_62, %shift_right_logical3A_63 : vector<16xi32>
      %sub3A = arith.subi %broadcast_in_dim3A_3, %select_n3A : vector<16xi32>
      %gather3A = tpu.vector_load_idx %arg14[%shift_right_logical3A_64] : memref<8192xi32, #tpu.memory_space<vmem>>[vector<16xi32>], vector<16xi32>,
      %eq3A_65 = vector.broadcast %while3A : i32 to vector<16xi32>
      %eq3A_66 = arith.cmpi eq, %gather3A, %eq3A_65 : vector<16xi32>
      %select_n3A_67 = arith.select %eq3A_66, %sub3A, %broadcast_in_dim3A_5 : vector<16xi1>, vector<16xi32>
      %gt3A_68 = arith.constant 0 : i32
      %gt3A_69 = vector.broadcast %gt3A_68 : i32 to vector<16xi32>
      %gt3A_70 = arith.cmpi sgt, %select_n3A_67, %gt3A_69 : vector<16xi32>
      tpu.vector_store_idx %arg14[%shift_right_logical3A_64], %add3A_58 masked %gt3A_70 : memref<8192xi32, #tpu.memory_space<vmem>>[vector<16xi32>], vector<16xi32>, vector<16xi1>
      %gather3A_71 = tpu.vector_load_idx %arg14[%shift_right_logical3A_64] : memref<8192xi32, #tpu.memory_space<vmem>>[vector<16xi32>], vector<16xi32>,
      %eq3A_72 = arith.cmpi eq, %gather3A_71, %add3A_58 : vector<16xi32>
      %select_n3A_73 = arith.select %eq3A_72, %sub3A, %broadcast_in_dim3A_5 : vector<16xi1>, vector<16xi32>
      %sub3A_74 = arith.subi %sub3A, %select_n3A_73 : vector<16xi32>
      %gt3A_75 = arith.constant 0 : i32
      %gt3A_76 = vector.broadcast %gt3A_75 : i32 to vector<16xi32>
      %gt3A_77 = arith.cmpi sgt, %sub3A_74, %gt3A_76 : vector<16xi32>
      %add3A_78 = arith.constant 1 : i32
      %add3A_79 = vector.broadcast %add3A_78 : i32 to vector<16xi32>
      %add3A_80 = arith.addi %shift_right_logical3A_64, %add3A_79 : vector<16xi32>
      %and3A = vector.broadcast %while3A_8 : i32 to vector<16xi32>
      %and3A_81 = arith.andi %add3A_80, %and3A : vector<16xi32>
      %select_n3A_82 = arith.select %gt3A_77, %and3A_81, %shift_right_logical3A_64 : vector<16xi1>, vector<16xi32>
      %gather3A_83 = tpu.vector_load_idx %arg14[%select_n3A_82] : memref<8192xi32, #tpu.memory_space<vmem>>[vector<16xi32>], vector<16xi32>,
      %eq3A_84 = vector.broadcast %while3A : i32 to vector<16xi32>
      %eq3A_85 = arith.cmpi eq, %gather3A_83, %eq3A_84 : vector<16xi32>
      %select_n3A_86 = arith.select %eq3A_85, %sub3A_74, %broadcast_in_dim3A_5 : vector<16xi1>, vector<16xi32>
      %gt3A_87 = arith.constant 0 : i32
      %gt3A_88 = vector.broadcast %gt3A_87 : i32 to vector<16xi32>
      %gt3A_89 = arith.cmpi sgt, %select_n3A_86, %gt3A_88 : vector<16xi32>
      tpu.vector_store_idx %arg14[%select_n3A_82], %add3A_58 masked %gt3A_89 : memref<8192xi32, #tpu.memory_space<vmem>>[vector<16xi32>], vector<16xi32>, vector<16xi1>
      %gather3A_90 = tpu.vector_load_idx %arg14[%select_n3A_82] : memref<8192xi32, #tpu.memory_space<vmem>>[vector<16xi32>], vector<16xi32>,
      %eq3A_91 = arith.cmpi eq, %gather3A_90, %add3A_58 : vector<16xi32>
      %select_n3A_92 = arith.select %eq3A_91, %sub3A_74, %broadcast_in_dim3A_5 : vector<16xi1>, vector<16xi32>
      %sub3A_93 = arith.subi %sub3A_74, %select_n3A_92 : vector<16xi32>
      %gt3A_94 = arith.constant 0 : i32
      %gt3A_95 = vector.broadcast %gt3A_94 : i32 to vector<16xi32>
      %gt3A_96 = arith.cmpi sgt, %sub3A_93, %gt3A_95 : vector<16xi32>
      %add3A_97 = arith.constant 1 : i32
      %add3A_98 = vector.broadcast %add3A_97 : i32 to vector<16xi32>
      %add3A_99 = arith.addi %select_n3A_82, %add3A_98 : vector<16xi32>
      %and3A_100 = vector.broadcast %while3A_8 : i32 to vector<16xi32>
      %and3A_101 = arith.andi %add3A_99, %and3A_100 : vector<16xi32>
      %select_n3A_102 = arith.select %gt3A_96, %and3A_101, %select_n3A_82 : vector<16xi1>, vector<16xi32>
      %while3A_103:2 = scf.while (%while3A_104 = %select_n3A_102, %while3A_105 = %sub3A_93) : (vector<16xi32>, vector<16xi32>) -> (vector<16xi32>, vector<16xi32>) {
        %reduce_max3A = arith.constant true
        %reduce_max3A_106 = vector.broadcast %reduce_max3A : i1 to vector<16xi1>
        %reduce_max3A_107 = arith.constant -2147483648 : i32
        %reduce_max3A_108 = vector.broadcast %reduce_max3A_107 : i32 to vector<16xi32>
        %reduce_max3A_109 = arith.xori %while3A_105, %reduce_max3A_108 : vector<16xi32>
        %reduce_max3A_110 = tpu.scan <max>, %reduce_max3A_109 masked %reduce_max3A_106 : vector<16xi32>, vector<16xi1> -> vector<16xi32>
        %reduce_max3A_111 = arith.xori %reduce_max3A_110, %reduce_max3A_108 : vector<16xi32>
        %reduce_max3A_112 = vector.extract %reduce_max3A_111[15] : i32 from vector<16xi32>
        %gt3A_113 = arith.constant 0 : i32
        %gt3A_114 = arith.cmpi sgt, %reduce_max3A_112, %gt3A_113 : i32
        scf.condition(%gt3A_114) %while3A_104, %while3A_105 : vector<16xi32>, vector<16xi32>
      } do {
      ^bb0(%while3A_104: vector<16xi32>, %while3A_105: vector<16xi32>):
        %gather3A_106 = tpu.vector_load_idx %arg14[%while3A_104] : memref<8192xi32, #tpu.memory_space<vmem>>[vector<16xi32>], vector<16xi32>,
        %eq3A_107 = vector.broadcast %while3A : i32 to vector<16xi32>
        %eq3A_108 = arith.cmpi eq, %gather3A_106, %eq3A_107 : vector<16xi32>
        %select_n3A_109 = arith.select %eq3A_108, %while3A_105, %broadcast_in_dim3A_5 : vector<16xi1>, vector<16xi32>
        %gt3A_110 = arith.constant 0 : i32
        %gt3A_111 = vector.broadcast %gt3A_110 : i32 to vector<16xi32>
        %gt3A_112 = arith.cmpi sgt, %select_n3A_109, %gt3A_111 : vector<16xi32>
        tpu.vector_store_idx %arg14[%while3A_104], %add3A_58 masked %gt3A_112 : memref<8192xi32, #tpu.memory_space<vmem>>[vector<16xi32>], vector<16xi32>, vector<16xi1>
        %gather3A_113 = tpu.vector_load_idx %arg14[%while3A_104] : memref<8192xi32, #tpu.memory_space<vmem>>[vector<16xi32>], vector<16xi32>,
        %eq3A_114 = arith.cmpi eq, %gather3A_113, %add3A_58 : vector<16xi32>
        %select_n3A_115 = arith.select %eq3A_114, %while3A_105, %broadcast_in_dim3A_5 : vector<16xi1>, vector<16xi32>
        %sub3A_116 = arith.subi %while3A_105, %select_n3A_115 : vector<16xi32>
        %gt3A_117 = arith.constant 0 : i32
        %gt3A_118 = vector.broadcast %gt3A_117 : i32 to vector<16xi32>
        %gt3A_119 = arith.cmpi sgt, %sub3A_116, %gt3A_118 : vector<16xi32>
        %add3A_120 = arith.constant 1 : i32
        %add3A_121 = vector.broadcast %add3A_120 : i32 to vector<16xi32>
        %add3A_122 = arith.addi %while3A_104, %add3A_121 : vector<16xi32>
        %and3A_123 = vector.broadcast %while3A_8 : i32 to vector<16xi32>
        %and3A_124 = arith.andi %add3A_122, %and3A_123 : vector<16xi32>
        %select_n3A_125 = arith.select %gt3A_119, %and3A_124, %while3A_104 : vector<16xi1>, vector<16xi32>
        scf.yield %select_n3A_125, %sub3A_116 : vector<16xi32>, vector<16xi32>
      }
      scf.yield %max3A : vector<16xi32>
    }
    %while3A_19 = arith.constant 1 : i32
    %while3A_20 = scf.for %while3A_36 = %while3A_16 to %while3A_12 step %while3A_19 iter_args(%while3A_37 = %while3A_18) -> (vector<16xi32>)  : i32 {
      %mul3A_38 = arith.constant 16 : i32
      %mul3A_39 = arith.muli %while3A_36, %mul3A_38 : i32
      %get3A = arith.index_cast %mul3A_39 : i32 to index
      %get3A_40 = tpu.vector_load %arg10[%get3A] {strides = array<i32>} : memref<3200xi32, #tpu.memory_space<vmem>>, vector<16xi32>,
      %get3A_41 = arith.index_cast %mul3A_39 : i32 to index
      %get3A_42 = tpu.vector_load %arg11[%get3A_41] {strides = array<i32>} : memref<3200xi32, #tpu.memory_space<vmem>>, vector<16xi32>,
      %get3A_43 = arith.index_cast %mul3A_39 : i32 to index
      %get3A_44 = tpu.vector_load %arg12[%get3A_43] {strides = array<i32>} : memref<3200xi32, #tpu.memory_space<vmem>>, vector<16xi32>,
      %get3A_45 = arith.index_cast %mul3A_39 : i32 to index
      %get3A_46 = tpu.vector_load %arg13[%get3A_45] {strides = array<i32>} : memref<3200xi32, #tpu.memory_space<vmem>>, vector<16xi32>,
      %mul3A_47 = arith.constant 256 : i32
      %mul3A_48 = vector.broadcast %mul3A_47 : i32 to vector<16xi32>
      %mul3A_49 = arith.muli %get3A_40, %mul3A_48 : vector<16xi32>
      %add3A_50 = arith.addi %mul3A_49, %get3A_42 : vector<16xi32>
      %mul3A_51 = arith.constant 256 : i32
      %mul3A_52 = vector.broadcast %mul3A_51 : i32 to vector<16xi32>
      %mul3A_53 = arith.muli %add3A_50, %mul3A_52 : vector<16xi32>
      %add3A_54 = arith.addi %mul3A_53, %get3A_44 : vector<16xi32>
      %mul3A_55 = arith.constant 256 : i32
      %mul3A_56 = vector.broadcast %mul3A_55 : i32 to vector<16xi32>
      %mul3A_57 = arith.muli %add3A_54, %mul3A_56 : vector<16xi32>
      %add3A_58 = arith.addi %mul3A_57, %get3A_46 : vector<16xi32>
      %eq3A = vector.broadcast %while3A : i32 to vector<16xi32>
      %eq3A_59 = arith.cmpi eq, %add3A_58, %eq3A : vector<16xi32>
      %select_n3A = arith.select %eq3A_59, %broadcast_in_dim3A_3, %broadcast_in_dim3A_5 : vector<16xi1>, vector<16xi32>
      %max3A = arith.maxsi %while3A_37, %select_n3A : vector<16xi32>
      %mul3A_60 = arith.constant -1640531527 : i32
      %mul3A_61 = vector.broadcast %mul3A_60 : i32 to vector<16xi32>
      %mul3A_62 = arith.muli %add3A_58, %mul3A_61 : vector<16xi32>
      %shift_right_logical3A = arith.constant 19 : i32
      %shift_right_logical3A_63 = vector.broadcast %shift_right_logical3A : i32 to vector<16xi32>
      %shift_right_logical3A_64 = arith.shrui %mul3A_62, %shift_right_logical3A_63 : vector<16xi32>
      %sub3A = arith.subi %broadcast_in_dim3A_3, %select_n3A : vector<16xi32>
      %gather3A = tpu.vector_load_idx %arg14[%shift_right_logical3A_64] : memref<8192xi32, #tpu.memory_space<vmem>>[vector<16xi32>], vector<16xi32>,
      %eq3A_65 = vector.broadcast %while3A : i32 to vector<16xi32>
      %eq3A_66 = arith.cmpi eq, %gather3A, %eq3A_65 : vector<16xi32>
      %select_n3A_67 = arith.select %eq3A_66, %sub3A, %broadcast_in_dim3A_5 : vector<16xi1>, vector<16xi32>
      %gt3A_68 = arith.constant 0 : i32
      %gt3A_69 = vector.broadcast %gt3A_68 : i32 to vector<16xi32>
      %gt3A_70 = arith.cmpi sgt, %select_n3A_67, %gt3A_69 : vector<16xi32>
      tpu.vector_store_idx %arg14[%shift_right_logical3A_64], %add3A_58 masked %gt3A_70 : memref<8192xi32, #tpu.memory_space<vmem>>[vector<16xi32>], vector<16xi32>, vector<16xi1>
      %gather3A_71 = tpu.vector_load_idx %arg14[%shift_right_logical3A_64] : memref<8192xi32, #tpu.memory_space<vmem>>[vector<16xi32>], vector<16xi32>,
      %eq3A_72 = arith.cmpi eq, %gather3A_71, %add3A_58 : vector<16xi32>
      %select_n3A_73 = arith.select %eq3A_72, %sub3A, %broadcast_in_dim3A_5 : vector<16xi1>, vector<16xi32>
      %sub3A_74 = arith.subi %sub3A, %select_n3A_73 : vector<16xi32>
      %gt3A_75 = arith.constant 0 : i32
      %gt3A_76 = vector.broadcast %gt3A_75 : i32 to vector<16xi32>
      %gt3A_77 = arith.cmpi sgt, %sub3A_74, %gt3A_76 : vector<16xi32>
      %add3A_78 = arith.constant 1 : i32
      %add3A_79 = vector.broadcast %add3A_78 : i32 to vector<16xi32>
      %add3A_80 = arith.addi %shift_right_logical3A_64, %add3A_79 : vector<16xi32>
      %and3A = vector.broadcast %while3A_8 : i32 to vector<16xi32>
      %and3A_81 = arith.andi %add3A_80, %and3A : vector<16xi32>
      %select_n3A_82 = arith.select %gt3A_77, %and3A_81, %shift_right_logical3A_64 : vector<16xi1>, vector<16xi32>
      %gather3A_83 = tpu.vector_load_idx %arg14[%select_n3A_82] : memref<8192xi32, #tpu.memory_space<vmem>>[vector<16xi32>], vector<16xi32>,
      %eq3A_84 = vector.broadcast %while3A : i32 to vector<16xi32>
      %eq3A_85 = arith.cmpi eq, %gather3A_83, %eq3A_84 : vector<16xi32>
      %select_n3A_86 = arith.select %eq3A_85, %sub3A_74, %broadcast_in_dim3A_5 : vector<16xi1>, vector<16xi32>
      %gt3A_87 = arith.constant 0 : i32
      %gt3A_88 = vector.broadcast %gt3A_87 : i32 to vector<16xi32>
      %gt3A_89 = arith.cmpi sgt, %select_n3A_86, %gt3A_88 : vector<16xi32>
      tpu.vector_store_idx %arg14[%select_n3A_82], %add3A_58 masked %gt3A_89 : memref<8192xi32, #tpu.memory_space<vmem>>[vector<16xi32>], vector<16xi32>, vector<16xi1>
      %gather3A_90 = tpu.vector_load_idx %arg14[%select_n3A_82] : memref<8192xi32, #tpu.memory_space<vmem>>[vector<16xi32>], vector<16xi32>,
      %eq3A_91 = arith.cmpi eq, %gather3A_90, %add3A_58 : vector<16xi32>
      %select_n3A_92 = arith.select %eq3A_91, %sub3A_74, %broadcast_in_dim3A_5 : vector<16xi1>, vector<16xi32>
      %sub3A_93 = arith.subi %sub3A_74, %select_n3A_92 : vector<16xi32>
      %gt3A_94 = arith.constant 0 : i32
      %gt3A_95 = vector.broadcast %gt3A_94 : i32 to vector<16xi32>
      %gt3A_96 = arith.cmpi sgt, %sub3A_93, %gt3A_95 : vector<16xi32>
      %add3A_97 = arith.constant 1 : i32
      %add3A_98 = vector.broadcast %add3A_97 : i32 to vector<16xi32>
      %add3A_99 = arith.addi %select_n3A_82, %add3A_98 : vector<16xi32>
      %and3A_100 = vector.broadcast %while3A_8 : i32 to vector<16xi32>
      %and3A_101 = arith.andi %add3A_99, %and3A_100 : vector<16xi32>
      %select_n3A_102 = arith.select %gt3A_96, %and3A_101, %select_n3A_82 : vector<16xi1>, vector<16xi32>
      %while3A_103:2 = scf.while (%while3A_104 = %select_n3A_102, %while3A_105 = %sub3A_93) : (vector<16xi32>, vector<16xi32>) -> (vector<16xi32>, vector<16xi32>) {
        %reduce_max3A = arith.constant true
        %reduce_max3A_106 = vector.broadcast %reduce_max3A : i1 to vector<16xi1>
        %reduce_max3A_107 = arith.constant -2147483648 : i32
        %reduce_max3A_108 = vector.broadcast %reduce_max3A_107 : i32 to vector<16xi32>
        %reduce_max3A_109 = arith.xori %while3A_105, %reduce_max3A_108 : vector<16xi32>
        %reduce_max3A_110 = tpu.scan <max>, %reduce_max3A_109 masked %reduce_max3A_106 : vector<16xi32>, vector<16xi1> -> vector<16xi32>
        %reduce_max3A_111 = arith.xori %reduce_max3A_110, %reduce_max3A_108 : vector<16xi32>
        %reduce_max3A_112 = vector.extract %reduce_max3A_111[15] : i32 from vector<16xi32>
        %gt3A_113 = arith.constant 0 : i32
        %gt3A_114 = arith.cmpi sgt, %reduce_max3A_112, %gt3A_113 : i32
        scf.condition(%gt3A_114) %while3A_104, %while3A_105 : vector<16xi32>, vector<16xi32>
      } do {
      ^bb0(%while3A_104: vector<16xi32>, %while3A_105: vector<16xi32>):
        %gather3A_106 = tpu.vector_load_idx %arg14[%while3A_104] : memref<8192xi32, #tpu.memory_space<vmem>>[vector<16xi32>], vector<16xi32>,
        %eq3A_107 = vector.broadcast %while3A : i32 to vector<16xi32>
        %eq3A_108 = arith.cmpi eq, %gather3A_106, %eq3A_107 : vector<16xi32>
        %select_n3A_109 = arith.select %eq3A_108, %while3A_105, %broadcast_in_dim3A_5 : vector<16xi1>, vector<16xi32>
        %gt3A_110 = arith.constant 0 : i32
        %gt3A_111 = vector.broadcast %gt3A_110 : i32 to vector<16xi32>
        %gt3A_112 = arith.cmpi sgt, %select_n3A_109, %gt3A_111 : vector<16xi32>
        tpu.vector_store_idx %arg14[%while3A_104], %add3A_58 masked %gt3A_112 : memref<8192xi32, #tpu.memory_space<vmem>>[vector<16xi32>], vector<16xi32>, vector<16xi1>
        %gather3A_113 = tpu.vector_load_idx %arg14[%while3A_104] : memref<8192xi32, #tpu.memory_space<vmem>>[vector<16xi32>], vector<16xi32>,
        %eq3A_114 = arith.cmpi eq, %gather3A_113, %add3A_58 : vector<16xi32>
        %select_n3A_115 = arith.select %eq3A_114, %while3A_105, %broadcast_in_dim3A_5 : vector<16xi1>, vector<16xi32>
        %sub3A_116 = arith.subi %while3A_105, %select_n3A_115 : vector<16xi32>
        %gt3A_117 = arith.constant 0 : i32
        %gt3A_118 = vector.broadcast %gt3A_117 : i32 to vector<16xi32>
        %gt3A_119 = arith.cmpi sgt, %sub3A_116, %gt3A_118 : vector<16xi32>
        %add3A_120 = arith.constant 1 : i32
        %add3A_121 = vector.broadcast %add3A_120 : i32 to vector<16xi32>
        %add3A_122 = arith.addi %while3A_104, %add3A_121 : vector<16xi32>
        %and3A_123 = vector.broadcast %while3A_8 : i32 to vector<16xi32>
        %and3A_124 = arith.andi %add3A_122, %and3A_123 : vector<16xi32>
        %select_n3A_125 = arith.select %gt3A_119, %and3A_124, %while3A_104 : vector<16xi1>, vector<16xi32>
        scf.yield %select_n3A_125, %sub3A_116 : vector<16xi32>, vector<16xi32>
      }
      scf.yield %max3A : vector<16xi32>
    }
    %gt3A = arith.constant 0 : i32
    %gt3A_21 = vector.broadcast %gt3A : i32 to vector<16xi32>
    %gt3A_22 = arith.cmpi sgt, %while3A_20, %gt3A_21 : vector<16xi32>
    %all_reduce_population_count3A = tpu.all_reduce %gt3A_22 {dim = 0 : i64, kind = #tpu.reduction_kind<sum>} : vector<16xi1> -> vector<16xi32>
    %while3A_23 = arith.constant 0 : i32
    %while3A_24 = arith.constant -2147483648 : i32
    %while3A_25 = arith.constant 8191 : i32
    %while3A_26 = arith.constant 0 : i32
    %while3A_27 = arith.constant 64 : i32
    %while3A_28 = arith.subi %while3A_27, %while3A_26 : i32
    %while3A_29 = arith.addi %while3A_26, %while3A_28 : i32
    %while3A_30 = arith.constant 1 : i32
    %while3A_31 = arith.divsi %while3A_28, %while3A_30 : i32
    %while3A_32 = arith.muli %while3A_31, %while3A_30 : i32
    %while3A_33 = arith.addi %while3A_26, %while3A_32 : i32
    %while3A_34 = arith.constant 1 : i32
    scf.for %while3A_36 = %while3A_26 to %while3A_33 step %while3A_34  : i32 {
      %mul3A_37 = arith.constant 16 : i32
      %mul3A_38 = arith.muli %while3A_36, %mul3A_37 : i32
      %get3A = arith.index_cast %mul3A_38 : i32 to index
      %get3A_39 = tpu.vector_load %arg9[%get3A] {strides = array<i32>} : memref<1024xi32, #tpu.memory_space<vmem>>, vector<16xi32>,
      %eq3A = vector.broadcast %while3A_24 : i32 to vector<16xi32>
      %eq3A_40 = arith.cmpi eq, %get3A_39, %eq3A : vector<16xi32>
      %select_n3A = arith.select %eq3A_40, %broadcast_in_dim3A_3, %broadcast_in_dim3A_5 : vector<16xi1>, vector<16xi32>
      %min3A = arith.minsi %select_n3A, %all_reduce_population_count3A : vector<16xi32>
      %sub3A = arith.subi %broadcast_in_dim3A_3, %select_n3A : vector<16xi32>
      %mul3A_41 = arith.constant -1640531527 : i32
      %mul3A_42 = vector.broadcast %mul3A_41 : i32 to vector<16xi32>
      %mul3A_43 = arith.muli %get3A_39, %mul3A_42 : vector<16xi32>
      %shift_right_logical3A = arith.constant 19 : i32
      %shift_right_logical3A_44 = vector.broadcast %shift_right_logical3A : i32 to vector<16xi32>
      %shift_right_logical3A_45 = arith.shrui %mul3A_43, %shift_right_logical3A_44 : vector<16xi32>
      %gather3A = tpu.vector_load_idx %arg14[%shift_right_logical3A_45] : memref<8192xi32, #tpu.memory_space<vmem>>[vector<16xi32>], vector<16xi32>,
      %eq3A_46 = arith.cmpi eq, %gather3A, %get3A_39 : vector<16xi32>
      %select_n3A_47 = arith.select %eq3A_46, %sub3A, %broadcast_in_dim3A_5 : vector<16xi1>, vector<16xi32>
      %eq3A_48 = vector.broadcast %while3A_24 : i32 to vector<16xi32>
      %eq3A_49 = arith.cmpi eq, %gather3A, %eq3A_48 : vector<16xi32>
      %select_n3A_50 = arith.select %eq3A_49, %sub3A, %broadcast_in_dim3A_5 : vector<16xi1>, vector<16xi32>
      %max3A = arith.maxsi %min3A, %select_n3A_47 : vector<16xi32>
      %max3A_51 = arith.maxsi %select_n3A_47, %select_n3A_50 : vector<16xi32>
      %sub3A_52 = arith.subi %sub3A, %max3A_51 : vector<16xi32>
      %gt3A_53 = arith.constant 0 : i32
      %gt3A_54 = vector.broadcast %gt3A_53 : i32 to vector<16xi32>
      %gt3A_55 = arith.cmpi sgt, %sub3A_52, %gt3A_54 : vector<16xi32>
      %add3A_56 = arith.constant 1 : i32
      %add3A_57 = vector.broadcast %add3A_56 : i32 to vector<16xi32>
      %add3A_58 = arith.addi %shift_right_logical3A_45, %add3A_57 : vector<16xi32>
      %and3A = vector.broadcast %while3A_25 : i32 to vector<16xi32>
      %and3A_59 = arith.andi %add3A_58, %and3A : vector<16xi32>
      %select_n3A_60 = arith.select %gt3A_55, %and3A_59, %shift_right_logical3A_45 : vector<16xi1>, vector<16xi32>
      %gather3A_61 = tpu.vector_load_idx %arg14[%select_n3A_60] : memref<8192xi32, #tpu.memory_space<vmem>>[vector<16xi32>], vector<16xi32>,
      %eq3A_62 = arith.cmpi eq, %gather3A_61, %get3A_39 : vector<16xi32>
      %select_n3A_63 = arith.select %eq3A_62, %sub3A_52, %broadcast_in_dim3A_5 : vector<16xi1>, vector<16xi32>
      %eq3A_64 = vector.broadcast %while3A_24 : i32 to vector<16xi32>
      %eq3A_65 = arith.cmpi eq, %gather3A_61, %eq3A_64 : vector<16xi32>
      %select_n3A_66 = arith.select %eq3A_65, %sub3A_52, %broadcast_in_dim3A_5 : vector<16xi1>, vector<16xi32>
      %max3A_67 = arith.maxsi %max3A, %select_n3A_63 : vector<16xi32>
      %max3A_68 = arith.maxsi %select_n3A_63, %select_n3A_66 : vector<16xi32>
      %sub3A_69 = arith.subi %sub3A_52, %max3A_68 : vector<16xi32>
      %gt3A_70 = arith.constant 0 : i32
      %gt3A_71 = vector.broadcast %gt3A_70 : i32 to vector<16xi32>
      %gt3A_72 = arith.cmpi sgt, %sub3A_69, %gt3A_71 : vector<16xi32>
      %add3A_73 = arith.constant 1 : i32
      %add3A_74 = vector.broadcast %add3A_73 : i32 to vector<16xi32>
      %add3A_75 = arith.addi %select_n3A_60, %add3A_74 : vector<16xi32>
      %and3A_76 = vector.broadcast %while3A_25 : i32 to vector<16xi32>
      %and3A_77 = arith.andi %add3A_75, %and3A_76 : vector<16xi32>
      %select_n3A_78 = arith.select %gt3A_72, %and3A_77, %select_n3A_60 : vector<16xi1>, vector<16xi32>
      %while3A_79:3 = scf.while (%while3A_81 = %select_n3A_78, %while3A_82 = %sub3A_69, %while3A_83 = %max3A_67) : (vector<16xi32>, vector<16xi32>, vector<16xi32>) -> (vector<16xi32>, vector<16xi32>, vector<16xi32>) {
        %reduce_max3A = arith.constant true
        %reduce_max3A_84 = vector.broadcast %reduce_max3A : i1 to vector<16xi1>
        %reduce_max3A_85 = arith.constant -2147483648 : i32
        %reduce_max3A_86 = vector.broadcast %reduce_max3A_85 : i32 to vector<16xi32>
        %reduce_max3A_87 = arith.xori %while3A_82, %reduce_max3A_86 : vector<16xi32>
        %reduce_max3A_88 = tpu.scan <max>, %reduce_max3A_87 masked %reduce_max3A_84 : vector<16xi32>, vector<16xi1> -> vector<16xi32>
        %reduce_max3A_89 = arith.xori %reduce_max3A_88, %reduce_max3A_86 : vector<16xi32>
        %reduce_max3A_90 = vector.extract %reduce_max3A_89[15] : i32 from vector<16xi32>
        %gt3A_91 = arith.constant 0 : i32
        %gt3A_92 = arith.cmpi sgt, %reduce_max3A_90, %gt3A_91 : i32
        scf.condition(%gt3A_92) %while3A_81, %while3A_82, %while3A_83 : vector<16xi32>, vector<16xi32>, vector<16xi32>
      } do {
      ^bb0(%while3A_81: vector<16xi32>, %while3A_82: vector<16xi32>, %while3A_83: vector<16xi32>):
        %gather3A_84 = tpu.vector_load_idx %arg14[%while3A_81] : memref<8192xi32, #tpu.memory_space<vmem>>[vector<16xi32>], vector<16xi32>,
        %eq3A_85 = arith.cmpi eq, %gather3A_84, %get3A_39 : vector<16xi32>
        %select_n3A_86 = arith.select %eq3A_85, %while3A_82, %broadcast_in_dim3A_5 : vector<16xi1>, vector<16xi32>
        %eq3A_87 = vector.broadcast %while3A_24 : i32 to vector<16xi32>
        %eq3A_88 = arith.cmpi eq, %gather3A_84, %eq3A_87 : vector<16xi32>
        %select_n3A_89 = arith.select %eq3A_88, %while3A_82, %broadcast_in_dim3A_5 : vector<16xi1>, vector<16xi32>
        %max3A_90 = arith.maxsi %while3A_83, %select_n3A_86 : vector<16xi32>
        %max3A_91 = arith.maxsi %select_n3A_86, %select_n3A_89 : vector<16xi32>
        %sub3A_92 = arith.subi %while3A_82, %max3A_91 : vector<16xi32>
        %gt3A_93 = arith.constant 0 : i32
        %gt3A_94 = vector.broadcast %gt3A_93 : i32 to vector<16xi32>
        %gt3A_95 = arith.cmpi sgt, %sub3A_92, %gt3A_94 : vector<16xi32>
        %add3A_96 = arith.constant 1 : i32
        %add3A_97 = vector.broadcast %add3A_96 : i32 to vector<16xi32>
        %add3A_98 = arith.addi %while3A_81, %add3A_97 : vector<16xi32>
        %and3A_99 = vector.broadcast %while3A_25 : i32 to vector<16xi32>
        %and3A_100 = arith.andi %add3A_98, %and3A_99 : vector<16xi32>
        %select_n3A_101 = arith.select %gt3A_95, %and3A_100, %while3A_81 : vector<16xi1>, vector<16xi32>
        scf.yield %select_n3A_101, %sub3A_92, %max3A_90 : vector<16xi32>, vector<16xi32>, vector<16xi32>
      }
      %swap3A = arith.index_cast %mul3A_38 : i32 to index
      %swap3A_80 = tpu.vector_load %arg15[%swap3A] {strides = array<i32>} : memref<1024xi32, #tpu.memory_space<vmem>>, vector<16xi32>,
      tpu.vector_store %arg15[%swap3A], %while3A_79#2 {strides = array<i32>} : memref<1024xi32, #tpu.memory_space<vmem>>, vector<16xi32>,
    }
    %while3A_35 = arith.constant 1 : i32
    scf.for %while3A_36 = %while3A_33 to %while3A_29 step %while3A_35  : i32 {
      %mul3A_37 = arith.constant 16 : i32
      %mul3A_38 = arith.muli %while3A_36, %mul3A_37 : i32
      %get3A = arith.index_cast %mul3A_38 : i32 to index
      %get3A_39 = tpu.vector_load %arg9[%get3A] {strides = array<i32>} : memref<1024xi32, #tpu.memory_space<vmem>>, vector<16xi32>,
      %eq3A = vector.broadcast %while3A_24 : i32 to vector<16xi32>
      %eq3A_40 = arith.cmpi eq, %get3A_39, %eq3A : vector<16xi32>
      %select_n3A = arith.select %eq3A_40, %broadcast_in_dim3A_3, %broadcast_in_dim3A_5 : vector<16xi1>, vector<16xi32>
      %min3A = arith.minsi %select_n3A, %all_reduce_population_count3A : vector<16xi32>
      %sub3A = arith.subi %broadcast_in_dim3A_3, %select_n3A : vector<16xi32>
      %mul3A_41 = arith.constant -1640531527 : i32
      %mul3A_42 = vector.broadcast %mul3A_41 : i32 to vector<16xi32>
      %mul3A_43 = arith.muli %get3A_39, %mul3A_42 : vector<16xi32>
      %shift_right_logical3A = arith.constant 19 : i32
      %shift_right_logical3A_44 = vector.broadcast %shift_right_logical3A : i32 to vector<16xi32>
      %shift_right_logical3A_45 = arith.shrui %mul3A_43, %shift_right_logical3A_44 : vector<16xi32>
      %gather3A = tpu.vector_load_idx %arg14[%shift_right_logical3A_45] : memref<8192xi32, #tpu.memory_space<vmem>>[vector<16xi32>], vector<16xi32>,
      %eq3A_46 = arith.cmpi eq, %gather3A, %get3A_39 : vector<16xi32>
      %select_n3A_47 = arith.select %eq3A_46, %sub3A, %broadcast_in_dim3A_5 : vector<16xi1>, vector<16xi32>
      %eq3A_48 = vector.broadcast %while3A_24 : i32 to vector<16xi32>
      %eq3A_49 = arith.cmpi eq, %gather3A, %eq3A_48 : vector<16xi32>
      %select_n3A_50 = arith.select %eq3A_49, %sub3A, %broadcast_in_dim3A_5 : vector<16xi1>, vector<16xi32>
      %max3A = arith.maxsi %min3A, %select_n3A_47 : vector<16xi32>
      %max3A_51 = arith.maxsi %select_n3A_47, %select_n3A_50 : vector<16xi32>
      %sub3A_52 = arith.subi %sub3A, %max3A_51 : vector<16xi32>
      %gt3A_53 = arith.constant 0 : i32
      %gt3A_54 = vector.broadcast %gt3A_53 : i32 to vector<16xi32>
      %gt3A_55 = arith.cmpi sgt, %sub3A_52, %gt3A_54 : vector<16xi32>
      %add3A_56 = arith.constant 1 : i32
      %add3A_57 = vector.broadcast %add3A_56 : i32 to vector<16xi32>
      %add3A_58 = arith.addi %shift_right_logical3A_45, %add3A_57 : vector<16xi32>
      %and3A = vector.broadcast %while3A_25 : i32 to vector<16xi32>
      %and3A_59 = arith.andi %add3A_58, %and3A : vector<16xi32>
      %select_n3A_60 = arith.select %gt3A_55, %and3A_59, %shift_right_logical3A_45 : vector<16xi1>, vector<16xi32>
      %gather3A_61 = tpu.vector_load_idx %arg14[%select_n3A_60] : memref<8192xi32, #tpu.memory_space<vmem>>[vector<16xi32>], vector<16xi32>,
      %eq3A_62 = arith.cmpi eq, %gather3A_61, %get3A_39 : vector<16xi32>
      %select_n3A_63 = arith.select %eq3A_62, %sub3A_52, %broadcast_in_dim3A_5 : vector<16xi1>, vector<16xi32>
      %eq3A_64 = vector.broadcast %while3A_24 : i32 to vector<16xi32>
      %eq3A_65 = arith.cmpi eq, %gather3A_61, %eq3A_64 : vector<16xi32>
      %select_n3A_66 = arith.select %eq3A_65, %sub3A_52, %broadcast_in_dim3A_5 : vector<16xi1>, vector<16xi32>
      %max3A_67 = arith.maxsi %max3A, %select_n3A_63 : vector<16xi32>
      %max3A_68 = arith.maxsi %select_n3A_63, %select_n3A_66 : vector<16xi32>
      %sub3A_69 = arith.subi %sub3A_52, %max3A_68 : vector<16xi32>
      %gt3A_70 = arith.constant 0 : i32
      %gt3A_71 = vector.broadcast %gt3A_70 : i32 to vector<16xi32>
      %gt3A_72 = arith.cmpi sgt, %sub3A_69, %gt3A_71 : vector<16xi32>
      %add3A_73 = arith.constant 1 : i32
      %add3A_74 = vector.broadcast %add3A_73 : i32 to vector<16xi32>
      %add3A_75 = arith.addi %select_n3A_60, %add3A_74 : vector<16xi32>
      %and3A_76 = vector.broadcast %while3A_25 : i32 to vector<16xi32>
      %and3A_77 = arith.andi %add3A_75, %and3A_76 : vector<16xi32>
      %select_n3A_78 = arith.select %gt3A_72, %and3A_77, %select_n3A_60 : vector<16xi1>, vector<16xi32>
      %while3A_79:3 = scf.while (%while3A_81 = %select_n3A_78, %while3A_82 = %sub3A_69, %while3A_83 = %max3A_67) : (vector<16xi32>, vector<16xi32>, vector<16xi32>) -> (vector<16xi32>, vector<16xi32>, vector<16xi32>) {
        %reduce_max3A = arith.constant true
        %reduce_max3A_84 = vector.broadcast %reduce_max3A : i1 to vector<16xi1>
        %reduce_max3A_85 = arith.constant -2147483648 : i32
        %reduce_max3A_86 = vector.broadcast %reduce_max3A_85 : i32 to vector<16xi32>
        %reduce_max3A_87 = arith.xori %while3A_82, %reduce_max3A_86 : vector<16xi32>
        %reduce_max3A_88 = tpu.scan <max>, %reduce_max3A_87 masked %reduce_max3A_84 : vector<16xi32>, vector<16xi1> -> vector<16xi32>
        %reduce_max3A_89 = arith.xori %reduce_max3A_88, %reduce_max3A_86 : vector<16xi32>
        %reduce_max3A_90 = vector.extract %reduce_max3A_89[15] : i32 from vector<16xi32>
        %gt3A_91 = arith.constant 0 : i32
        %gt3A_92 = arith.cmpi sgt, %reduce_max3A_90, %gt3A_91 : i32
        scf.condition(%gt3A_92) %while3A_81, %while3A_82, %while3A_83 : vector<16xi32>, vector<16xi32>, vector<16xi32>
      } do {
      ^bb0(%while3A_81: vector<16xi32>, %while3A_82: vector<16xi32>, %while3A_83: vector<16xi32>):
        %gather3A_84 = tpu.vector_load_idx %arg14[%while3A_81] : memref<8192xi32, #tpu.memory_space<vmem>>[vector<16xi32>], vector<16xi32>,
        %eq3A_85 = arith.cmpi eq, %gather3A_84, %get3A_39 : vector<16xi32>
        %select_n3A_86 = arith.select %eq3A_85, %while3A_82, %broadcast_in_dim3A_5 : vector<16xi1>, vector<16xi32>
        %eq3A_87 = vector.broadcast %while3A_24 : i32 to vector<16xi32>
        %eq3A_88 = arith.cmpi eq, %gather3A_84, %eq3A_87 : vector<16xi32>
        %select_n3A_89 = arith.select %eq3A_88, %while3A_82, %broadcast_in_dim3A_5 : vector<16xi1>, vector<16xi32>
        %max3A_90 = arith.maxsi %while3A_83, %select_n3A_86 : vector<16xi32>
        %max3A_91 = arith.maxsi %select_n3A_86, %select_n3A_89 : vector<16xi32>
        %sub3A_92 = arith.subi %while3A_82, %max3A_91 : vector<16xi32>
        %gt3A_93 = arith.constant 0 : i32
        %gt3A_94 = vector.broadcast %gt3A_93 : i32 to vector<16xi32>
        %gt3A_95 = arith.cmpi sgt, %sub3A_92, %gt3A_94 : vector<16xi32>
        %add3A_96 = arith.constant 1 : i32
        %add3A_97 = vector.broadcast %add3A_96 : i32 to vector<16xi32>
        %add3A_98 = arith.addi %while3A_81, %add3A_97 : vector<16xi32>
        %and3A_99 = vector.broadcast %while3A_25 : i32 to vector<16xi32>
        %and3A_100 = arith.andi %add3A_98, %and3A_99 : vector<16xi32>
        %select_n3A_101 = arith.select %gt3A_95, %and3A_100, %while3A_81 : vector<16xi1>, vector<16xi32>
        scf.yield %select_n3A_101, %sub3A_92, %max3A_90 : vector<16xi32>, vector<16xi32>, vector<16xi32>
      }
      %swap3A = arith.index_cast %mul3A_38 : i32 to index
      %swap3A_80 = tpu.vector_load %arg15[%swap3A] {strides = array<i32>} : memref<1024xi32, #tpu.memory_space<vmem>>, vector<16xi32>,
      tpu.vector_store %arg15[%swap3A], %while3A_79#2 {strides = array<i32>} : memref<1024xi32, #tpu.memory_space<vmem>>, vector<16xi32>,
    }
    "tpu.region"() ({
      %run_scoped3A = tpu.sem_alloc : memref<!tpu.dma_semaphore, #tpu.memory_space<semaphore_mem>>
      %dma_start3A = arith.constant 0 : i32
      %dma_start3A_36 = tpu.memref_slice %arg8[%add3A, %dma_start3A] : memref<32x1024xi32, #tpu.memory_space<hbm>> -> memref<1x1024xi32, #tpu.memory_space<hbm>>
      %dma_start3A_37 = tpu.memref_squeeze %dma_start3A_36 : memref<1x1024xi32, #tpu.memory_space<hbm>> -> memref<1024xi32, #tpu.memory_space<hbm>>
      %dma_start3A_38 = arith.constant 0 : i32
      %dma_start3A_39 = tpu.memref_slice %arg8[%add3A, %dma_start3A_38] : memref<32x1024xi32, #tpu.memory_space<hbm>> -> memref<1x1024xi32, #tpu.memory_space<hbm>>
      %dma_start3A_40 = tpu.memref_squeeze %dma_start3A_39 : memref<1x1024xi32, #tpu.memory_space<hbm>> -> memref<1024xi32, #tpu.memory_space<hbm>>
      tpu.enqueue_dma source(%arg15 : memref<1024xi32, #tpu.memory_space<vmem>>) target(%dma_start3A_40 : memref<1024xi32, #tpu.memory_space<hbm>>) target_semaphore(%run_scoped3A : memref<!tpu.dma_semaphore, #tpu.memory_space<semaphore_mem>>)
      %dma_wait3A = arith.constant 0 : i32
      %dma_wait3A_41 = tpu.memref_slice %arg8[%add3A, %dma_wait3A] : memref<32x1024xi32, #tpu.memory_space<hbm>> -> memref<1x1024xi32, #tpu.memory_space<hbm>>
      %dma_wait3A_42 = tpu.memref_squeeze %dma_wait3A_41 : memref<1x1024xi32, #tpu.memory_space<hbm>> -> memref<1024xi32, #tpu.memory_space<hbm>>
      %dma_wait3A_43 = arith.constant 0 : i32
      %dma_wait3A_44 = tpu.memref_slice %arg8[%add3A, %dma_wait3A_43] : memref<32x1024xi32, #tpu.memory_space<hbm>> -> memref<1x1024xi32, #tpu.memory_space<hbm>>
      %dma_wait3A_45 = tpu.memref_squeeze %dma_wait3A_44 : memref<1x1024xi32, #tpu.memory_space<hbm>> -> memref<1024xi32, #tpu.memory_space<hbm>>
      tpu.wait_dma2 semaphore(%run_scoped3A : memref<!tpu.dma_semaphore, #tpu.memory_space<semaphore_mem>>) src(%arg15 : memref<1024xi32, #tpu.memory_space<vmem>>) dst(%dma_wait3A_45 : memref<1024xi32, #tpu.memory_space<hbm>>)
      tpu.yield
    }) : () -> ()
    return
  }
}

module attributes {stable_mosaic.version = 14 : i64} {
  func.func @_quant_kernel(%arg0: i32, %arg1: memref<1x1024x32xf32, #tpu.memory_space<vmem>>, %arg2: memref<1x256x32xf32, #tpu.memory_space<vmem>>, %arg3: memref<1024x4xi32, #tpu.memory_space<vmem>>, %arg4: memref<1024x128xf32, #tpu.memory_space<vmem>>, %arg5: memref<1024x1xi32, #tpu.memory_space<vmem>>) attributes {dimension_semantics = [#tpu.dimension_semantics<arbitrary>], iteration_bounds = array<i64: 4>, scalar_prefetch = 0 : i64, scratch_operands = 0 : i64, tpu.core_type = #tpu.core_type<tc>, window_params = [{transform_indices = @transform_0, window_bounds = array<i64: 1, 1024, 32>}, {transform_indices = @transform_1, window_bounds = array<i64: 1, 256, 32>}, {transform_indices = @transform_2, window_bounds = array<i64: 1024, 4>}, {transform_indices = @transform_3, window_bounds = array<i64: 1024, 128>}, {transform_indices = @transform_4, window_bounds = array<i64: 1024, 1>}]} {
    %iota3A = tpu.iota {dimensions = array<i32: 1>} : vector<1024x256xi32>
    %get3A = arith.constant 0 : index
    %get3A_0 = arith.constant 0 : index
    %get3A_1 = arith.constant 0 : index
    %get3A_2 = vector.load %arg1[%get3A, %get3A_0, %get3A_1] : memref<1x1024x32xf32, #tpu.memory_space<vmem>>, vector<1x1024x32xf32>
    %get3A_3 = vector.shape_cast %get3A_2 : vector<1x1024x32xf32> to vector<1024x32xf32>
    %get3A_4 = arith.constant 0 : index
    %get3A_5 = arith.constant 0 : index
    %get3A_6 = arith.constant 0 : index
    %get3A_7 = vector.load %arg2[%get3A_4, %get3A_5, %get3A_6] : memref<1x256x32xf32, #tpu.memory_space<vmem>>, vector<1x256x32xf32>
    %get3A_8 = vector.shape_cast %get3A_7 : vector<1x256x32xf32> to vector<256x32xf32>
    %mul3A = arith.mulf %get3A_8, %get3A_8 : vector<256x32xf32>
    %reduce_sum3A = arith.constant dense<0.000000e+00> : vector<256xf32>
    %reduce_sum3A_9 = vector.multi_reduction <add>, %mul3A, %reduce_sum3A [1] : vector<256x32xf32> to vector<256xf32>
    %broadcast_in_dim3A = vector.shape_cast %reduce_sum3A_9 : vector<256xf32> to vector<256x1xf32>
    %mul3A_10 = arith.constant -2.000000e+00 : f32
    %mul3A_11 = vector.broadcast %mul3A_10 : f32 to vector<256x32xf32>
    %mul3A_12 = arith.mulf %mul3A_11, %get3A_8 : vector<256x32xf32>
    %concatenate3A = tpu.concatenate %mul3A_12, %broadcast_in_dim3A in 1 : vector<256x32xf32>, vector<256x1xf32> -> vector<256x33xf32>
    %broadcast_in_dim3A_13 = arith.constant 1.000000e+00 : f32
    %broadcast_in_dim3A_14 = vector.broadcast %broadcast_in_dim3A_13 : f32 to vector<1024x1xf32>
    %concatenate3A_15 = tpu.concatenate %get3A_3, %broadcast_in_dim3A_14 in 1 : vector<1024x32xf32>, vector<1024x1xf32> -> vector<1024x33xf32>
    %dot_general3A = arith.constant dense<0.000000e+00> : vector<1024x256xf32>
    %dot_general3A_16 = tpu.matmul %concatenate3A_15, %concatenate3A, %dot_general3A {dimension_numbers = #tpu.dot_dimension_numbers<[1], [1], [0], [0], [0, 0, 1, 0], [], []>, precision = #tpu.contract_precision<fp32>, transpose_lhs_hint = false} : vector<1024x33xf32>, vector<256x33xf32>, vector<1024x256xf32> -> vector<1024x256xf32>
    %reduce_min3A = arith.constant dense<0x7F800000> : vector<1024xf32>
    %reduce_min3A_17 = vector.multi_reduction <minimumf>, %dot_general3A_16, %reduce_min3A [1] : vector<1024x256xf32> to vector<1024xf32>
    %broadcast_in_dim3A_18 = vector.shape_cast %reduce_min3A_17 : vector<1024xf32> to vector<1024x1xf32>
    %eq3A = vector.broadcast %broadcast_in_dim3A_18 : vector<1024x1xf32> to vector<1024x256xf32>
    %eq3A_19 = arith.cmpf oeq, %dot_general3A_16, %eq3A : vector<1024x256xf32>
    %jit3A = arith.constant 1073741824 : i32
    %broadcast_in_dim3A_20 = vector.broadcast %jit3A : i32 to vector<1024x256xi32>
    %select_n3A = arith.select %eq3A_19, %iota3A, %broadcast_in_dim3A_20 : vector<1024x256xi1>, vector<1024x256xi32>
    %reduce_min3A_21 = arith.constant dense<2147483647> : vector<1024xi32>
    %reduce_min3A_22 = vector.multi_reduction <minsi>, %select_n3A, %reduce_min3A_21 [1] : vector<1024x256xi32> to vector<1024xi32>
    %broadcast_in_dim3A_23 = vector.shape_cast %reduce_min3A_22 : vector<1024xi32> to vector<1024x1xi32>
    %eq3A_24 = vector.broadcast %broadcast_in_dim3A_23 : vector<1024x1xi32> to vector<1024x256xi32>
    %eq3A_25 = arith.cmpi eq, %iota3A, %eq3A_24 : vector<1024x256xi32>
    %jit3A_26 = arith.constant 0x7FF0000000000000 : f64
    %convert_element_type3A = arith.truncf %jit3A_26 : f64 to f32
    %broadcast_in_dim3A_27 = vector.broadcast %convert_element_type3A : f32 to vector<1024x256xf32>
    %select_n3A_28 = arith.select %eq3A_25, %broadcast_in_dim3A_27, %dot_general3A_16 : vector<1024x256xi1>, vector<1024x256xf32>
    %eq3A_29 = vector.broadcast %broadcast_in_dim3A_23 : vector<1024x1xi32> to vector<1024x256xi32>
    %eq3A_30 = arith.cmpi eq, %iota3A, %eq3A_29 : vector<1024x256xi32>
    %convert_element_type3A_31 = arith.extui %eq3A_30 : vector<1024x256xi1> to vector<1024x256xi32>
    %convert_element_type3A_32 = arith.sitofp %convert_element_type3A_31 : vector<1024x256xi32> to vector<1024x256xf32>
    %dot_general3A_33 = arith.constant dense<0.000000e+00> : vector<1024x32xf32>
    %dot_general3A_34 = tpu.matmul %convert_element_type3A_32, %get3A_8, %dot_general3A_33 {dimension_numbers = #tpu.dot_dimension_numbers<[1], [0], [0], [1], [0, 0, 1, 1], [], []>, precision = #tpu.contract_precision<fp32>, transpose_lhs_hint = false} : vector<1024x256xf32>, vector<256x32xf32>, vector<1024x32xf32> -> vector<1024x32xf32>
    %sub3A = arith.subf %get3A_3, %dot_general3A_34 : vector<1024x32xf32>
    %mul3A_35 = arith.mulf %sub3A, %sub3A : vector<1024x32xf32>
    %reduce_sum3A_36 = arith.constant dense<0.000000e+00> : vector<1024xf32>
    %reduce_sum3A_37 = vector.multi_reduction <add>, %mul3A_35, %reduce_sum3A_36 [1] : vector<1024x32xf32> to vector<1024xf32>
    %broadcast_in_dim3A_38 = vector.shape_cast %reduce_sum3A_37 : vector<1024xf32> to vector<1024x1xf32>
    %reduce_min3A_39 = arith.constant dense<0x7F800000> : vector<1024xf32>
    %reduce_min3A_40 = vector.multi_reduction <minimumf>, %select_n3A_28, %reduce_min3A_39 [1] : vector<1024x256xf32> to vector<1024xf32>
    %broadcast_in_dim3A_41 = vector.shape_cast %reduce_min3A_40 : vector<1024xf32> to vector<1024x1xf32>
    %eq3A_42 = vector.broadcast %broadcast_in_dim3A_41 : vector<1024x1xf32> to vector<1024x256xf32>
    %eq3A_43 = arith.cmpf oeq, %select_n3A_28, %eq3A_42 : vector<1024x256xf32>
    %jit3A_44 = arith.constant 1073741824 : i32
    %broadcast_in_dim3A_45 = vector.broadcast %jit3A_44 : i32 to vector<1024x256xi32>
    %select_n3A_46 = arith.select %eq3A_43, %iota3A, %broadcast_in_dim3A_45 : vector<1024x256xi1>, vector<1024x256xi32>
    %reduce_min3A_47 = arith.constant dense<2147483647> : vector<1024xi32>
    %reduce_min3A_48 = vector.multi_reduction <minsi>, %select_n3A_46, %reduce_min3A_47 [1] : vector<1024x256xi32> to vector<1024xi32>
    %broadcast_in_dim3A_49 = vector.shape_cast %reduce_min3A_48 : vector<1024xi32> to vector<1024x1xi32>
    %eq3A_50 = vector.broadcast %broadcast_in_dim3A_49 : vector<1024x1xi32> to vector<1024x256xi32>
    %eq3A_51 = arith.cmpi eq, %iota3A, %eq3A_50 : vector<1024x256xi32>
    %jit3A_52 = arith.constant 0x7FF0000000000000 : f64
    %convert_element_type3A_53 = arith.truncf %jit3A_52 : f64 to f32
    %broadcast_in_dim3A_54 = vector.broadcast %convert_element_type3A_53 : f32 to vector<1024x256xf32>
    %select_n3A_55 = arith.select %eq3A_51, %broadcast_in_dim3A_54, %select_n3A_28 : vector<1024x256xi1>, vector<1024x256xf32>
    %eq3A_56 = vector.broadcast %broadcast_in_dim3A_49 : vector<1024x1xi32> to vector<1024x256xi32>
    %eq3A_57 = arith.cmpi eq, %iota3A, %eq3A_56 : vector<1024x256xi32>
    %convert_element_type3A_58 = arith.extui %eq3A_57 : vector<1024x256xi1> to vector<1024x256xi32>
    %convert_element_type3A_59 = arith.sitofp %convert_element_type3A_58 : vector<1024x256xi32> to vector<1024x256xf32>
    %dot_general3A_60 = arith.constant dense<0.000000e+00> : vector<1024x32xf32>
    %dot_general3A_61 = tpu.matmul %convert_element_type3A_59, %get3A_8, %dot_general3A_60 {dimension_numbers = #tpu.dot_dimension_numbers<[1], [0], [0], [1], [0, 0, 1, 1], [], []>, precision = #tpu.contract_precision<fp32>, transpose_lhs_hint = false} : vector<1024x256xf32>, vector<256x32xf32>, vector<1024x32xf32> -> vector<1024x32xf32>
    %sub3A_62 = arith.subf %get3A_3, %dot_general3A_61 : vector<1024x32xf32>
    %mul3A_63 = arith.mulf %sub3A_62, %sub3A_62 : vector<1024x32xf32>
    %reduce_sum3A_64 = arith.constant dense<0.000000e+00> : vector<1024xf32>
    %reduce_sum3A_65 = vector.multi_reduction <add>, %mul3A_63, %reduce_sum3A_64 [1] : vector<1024x32xf32> to vector<1024xf32>
    %broadcast_in_dim3A_66 = vector.shape_cast %reduce_sum3A_65 : vector<1024xf32> to vector<1024x1xf32>
    %reduce_min3A_67 = arith.constant dense<0x7F800000> : vector<1024xf32>
    %reduce_min3A_68 = vector.multi_reduction <minimumf>, %select_n3A_55, %reduce_min3A_67 [1] : vector<1024x256xf32> to vector<1024xf32>
    %broadcast_in_dim3A_69 = vector.shape_cast %reduce_min3A_68 : vector<1024xf32> to vector<1024x1xf32>
    %eq3A_70 = vector.broadcast %broadcast_in_dim3A_69 : vector<1024x1xf32> to vector<1024x256xf32>
    %eq3A_71 = arith.cmpf oeq, %select_n3A_55, %eq3A_70 : vector<1024x256xf32>
    %jit3A_72 = arith.constant 1073741824 : i32
    %broadcast_in_dim3A_73 = vector.broadcast %jit3A_72 : i32 to vector<1024x256xi32>
    %select_n3A_74 = arith.select %eq3A_71, %iota3A, %broadcast_in_dim3A_73 : vector<1024x256xi1>, vector<1024x256xi32>
    %reduce_min3A_75 = arith.constant dense<2147483647> : vector<1024xi32>
    %reduce_min3A_76 = vector.multi_reduction <minsi>, %select_n3A_74, %reduce_min3A_75 [1] : vector<1024x256xi32> to vector<1024xi32>
    %broadcast_in_dim3A_77 = vector.shape_cast %reduce_min3A_76 : vector<1024xi32> to vector<1024x1xi32>
    %eq3A_78 = vector.broadcast %broadcast_in_dim3A_77 : vector<1024x1xi32> to vector<1024x256xi32>
    %eq3A_79 = arith.cmpi eq, %iota3A, %eq3A_78 : vector<1024x256xi32>
    %jit3A_80 = arith.constant 0x7FF0000000000000 : f64
    %convert_element_type3A_81 = arith.truncf %jit3A_80 : f64 to f32
    %broadcast_in_dim3A_82 = vector.broadcast %convert_element_type3A_81 : f32 to vector<1024x256xf32>
    %select_n3A_83 = arith.select %eq3A_79, %broadcast_in_dim3A_82, %select_n3A_55 : vector<1024x256xi1>, vector<1024x256xf32>
    %eq3A_84 = vector.broadcast %broadcast_in_dim3A_77 : vector<1024x1xi32> to vector<1024x256xi32>
    %eq3A_85 = arith.cmpi eq, %iota3A, %eq3A_84 : vector<1024x256xi32>
    %convert_element_type3A_86 = arith.extui %eq3A_85 : vector<1024x256xi1> to vector<1024x256xi32>
    %convert_element_type3A_87 = arith.sitofp %convert_element_type3A_86 : vector<1024x256xi32> to vector<1024x256xf32>
    %dot_general3A_88 = arith.constant dense<0.000000e+00> : vector<1024x32xf32>
    %dot_general3A_89 = tpu.matmul %convert_element_type3A_87, %get3A_8, %dot_general3A_88 {dimension_numbers = #tpu.dot_dimension_numbers<[1], [0], [0], [1], [0, 0, 1, 1], [], []>, precision = #tpu.contract_precision<fp32>, transpose_lhs_hint = false} : vector<1024x256xf32>, vector<256x32xf32>, vector<1024x32xf32> -> vector<1024x32xf32>
    %sub3A_90 = arith.subf %get3A_3, %dot_general3A_89 : vector<1024x32xf32>
    %mul3A_91 = arith.mulf %sub3A_90, %sub3A_90 : vector<1024x32xf32>
    %reduce_sum3A_92 = arith.constant dense<0.000000e+00> : vector<1024xf32>
    %reduce_sum3A_93 = vector.multi_reduction <add>, %mul3A_91, %reduce_sum3A_92 [1] : vector<1024x32xf32> to vector<1024xf32>
    %broadcast_in_dim3A_94 = vector.shape_cast %reduce_sum3A_93 : vector<1024xf32> to vector<1024x1xf32>
    %reduce_min3A_95 = arith.constant dense<0x7F800000> : vector<1024xf32>
    %reduce_min3A_96 = vector.multi_reduction <minimumf>, %select_n3A_83, %reduce_min3A_95 [1] : vector<1024x256xf32> to vector<1024xf32>
    %broadcast_in_dim3A_97 = vector.shape_cast %reduce_min3A_96 : vector<1024xf32> to vector<1024x1xf32>
    %eq3A_98 = vector.broadcast %broadcast_in_dim3A_97 : vector<1024x1xf32> to vector<1024x256xf32>
    %eq3A_99 = arith.cmpf oeq, %select_n3A_83, %eq3A_98 : vector<1024x256xf32>
    %jit3A_100 = arith.constant 1073741824 : i32
    %broadcast_in_dim3A_101 = vector.broadcast %jit3A_100 : i32 to vector<1024x256xi32>
    %select_n3A_102 = arith.select %eq3A_99, %iota3A, %broadcast_in_dim3A_101 : vector<1024x256xi1>, vector<1024x256xi32>
    %reduce_min3A_103 = arith.constant dense<2147483647> : vector<1024xi32>
    %reduce_min3A_104 = vector.multi_reduction <minsi>, %select_n3A_102, %reduce_min3A_103 [1] : vector<1024x256xi32> to vector<1024xi32>
    %broadcast_in_dim3A_105 = vector.shape_cast %reduce_min3A_104 : vector<1024xi32> to vector<1024x1xi32>
    %eq3A_106 = vector.broadcast %broadcast_in_dim3A_105 : vector<1024x1xi32> to vector<1024x256xi32>
    %eq3A_107 = arith.cmpi eq, %iota3A, %eq3A_106 : vector<1024x256xi32>
    %convert_element_type3A_108 = arith.extui %eq3A_107 : vector<1024x256xi1> to vector<1024x256xi32>
    %convert_element_type3A_109 = arith.sitofp %convert_element_type3A_108 : vector<1024x256xi32> to vector<1024x256xf32>
    %dot_general3A_110 = arith.constant dense<0.000000e+00> : vector<1024x32xf32>
    %dot_general3A_111 = tpu.matmul %convert_element_type3A_109, %get3A_8, %dot_general3A_110 {dimension_numbers = #tpu.dot_dimension_numbers<[1], [0], [0], [1], [0, 0, 1, 1], [], []>, precision = #tpu.contract_precision<fp32>, transpose_lhs_hint = false} : vector<1024x256xf32>, vector<256x32xf32>, vector<1024x32xf32> -> vector<1024x32xf32>
    %sub3A_112 = arith.subf %get3A_3, %dot_general3A_111 : vector<1024x32xf32>
    %mul3A_113 = arith.mulf %sub3A_112, %sub3A_112 : vector<1024x32xf32>
    %reduce_sum3A_114 = arith.constant dense<0.000000e+00> : vector<1024xf32>
    %reduce_sum3A_115 = vector.multi_reduction <add>, %mul3A_113, %reduce_sum3A_114 [1] : vector<1024x32xf32> to vector<1024xf32>
    %broadcast_in_dim3A_116 = vector.shape_cast %reduce_sum3A_115 : vector<1024xf32> to vector<1024x1xf32>
    %lt3A = arith.cmpf olt, %broadcast_in_dim3A_66, %broadcast_in_dim3A_38 : vector<1024x1xf32>
    %eq3A_117 = arith.cmpf oeq, %broadcast_in_dim3A_66, %broadcast_in_dim3A_38 : vector<1024x1xf32>
    %lt3A_118 = arith.cmpi slt, %broadcast_in_dim3A_49, %broadcast_in_dim3A_23 : vector<1024x1xi32>
    %and3A = arith.andi %eq3A_117, %lt3A_118 : vector<1024x1xi1>
    %or3A = arith.ori %lt3A, %and3A : vector<1024x1xi1>
    %select_n3A_119 = arith.select %or3A, %broadcast_in_dim3A_49, %broadcast_in_dim3A_23 : vector<1024x1xi1>, vector<1024x1xi32>
    %select_n3A_120 = arith.select %or3A, %broadcast_in_dim3A_66, %broadcast_in_dim3A_38 : vector<1024x1xi1>, vector<1024x1xf32>
    %lt3A_121 = arith.cmpf olt, %broadcast_in_dim3A_94, %select_n3A_120 : vector<1024x1xf32>
    %eq3A_122 = arith.cmpf oeq, %broadcast_in_dim3A_94, %select_n3A_120 : vector<1024x1xf32>
    %lt3A_123 = arith.cmpi slt, %broadcast_in_dim3A_77, %select_n3A_119 : vector<1024x1xi32>
    %and3A_124 = arith.andi %eq3A_122, %lt3A_123 : vector<1024x1xi1>
    %or3A_125 = arith.ori %lt3A_121, %and3A_124 : vector<1024x1xi1>
    %select_n3A_126 = arith.select %or3A_125, %broadcast_in_dim3A_77, %select_n3A_119 : vector<1024x1xi1>, vector<1024x1xi32>
    %select_n3A_127 = arith.select %or3A_125, %broadcast_in_dim3A_94, %select_n3A_120 : vector<1024x1xi1>, vector<1024x1xf32>
    %lt3A_128 = arith.cmpf olt, %broadcast_in_dim3A_116, %select_n3A_127 : vector<1024x1xf32>
    %eq3A_129 = arith.cmpf oeq, %broadcast_in_dim3A_116, %select_n3A_127 : vector<1024x1xf32>
    %lt3A_130 = arith.cmpi slt, %broadcast_in_dim3A_105, %select_n3A_126 : vector<1024x1xi32>
    %and3A_131 = arith.andi %eq3A_129, %lt3A_130 : vector<1024x1xi1>
    %or3A_132 = arith.ori %lt3A_128, %and3A_131 : vector<1024x1xi1>
    %select_n3A_133 = arith.select %or3A_132, %broadcast_in_dim3A_105, %select_n3A_126 : vector<1024x1xi1>, vector<1024x1xi32>
    %eq3A_134 = vector.broadcast %select_n3A_133 : vector<1024x1xi32> to vector<1024x256xi32>
    %eq3A_135 = arith.cmpi eq, %iota3A, %eq3A_134 : vector<1024x256xi32>
    %convert_element_type3A_136 = arith.extui %eq3A_135 : vector<1024x256xi1> to vector<1024x256xi32>
    %convert_element_type3A_137 = arith.sitofp %convert_element_type3A_136 : vector<1024x256xi32> to vector<1024x256xf32>
    %dot_general3A_138 = arith.constant dense<0.000000e+00> : vector<1024x32xf32>
    %dot_general3A_139 = tpu.matmul %convert_element_type3A_137, %get3A_8, %dot_general3A_138 {dimension_numbers = #tpu.dot_dimension_numbers<[1], [0], [0], [1], [0, 0, 1, 1], [], []>, precision = #tpu.contract_precision<fp32>, transpose_lhs_hint = false} : vector<1024x256xf32>, vector<256x32xf32>, vector<1024x32xf32> -> vector<1024x32xf32>
    %eq3A_140 = arith.constant 0 : i32
    %eq3A_141 = arith.cmpi eq, %arg0, %eq3A_140 : i32
    %convert_element_type3A_142 = arith.extui %eq3A_141 : i1 to i32
    %cond3A = arith.constant 0 : i32
    %cond3A_143 = arith.cmpi ne, %convert_element_type3A_142, %cond3A : i32
    scf.if %cond3A_143 {
      %swap3A = arith.constant 0 : index
      %swap3A_168 = arith.constant 0 : index
      %swap3A_169 = vector.load %arg4[%swap3A, %swap3A_168] : memref<1024x128xf32, #tpu.memory_space<vmem>>, vector<1024x32xf32>
      tpu.vector_store %arg4[%swap3A, %swap3A_168], %dot_general3A_139 {strides = array<i32>} : memref<1024x128xf32, #tpu.memory_space<vmem>>, vector<1024x32xf32>,
      %swap3A_170 = arith.constant 0 : index
      %swap3A_171 = arith.constant 0 : index
      %swap3A_172 = vector.load %arg3[%swap3A_170, %swap3A_171] : memref<1024x4xi32, #tpu.memory_space<vmem>>, vector<1024x1xi32>
      tpu.vector_store %arg3[%swap3A_170, %swap3A_171], %select_n3A_133 {strides = array<i32>} : memref<1024x4xi32, #tpu.memory_space<vmem>>, vector<1024x1xi32>,
    } else {
    }
    %eq3A_144 = arith.constant 1 : i32
    %eq3A_145 = arith.cmpi eq, %arg0, %eq3A_144 : i32
    %convert_element_type3A_146 = arith.extui %eq3A_145 : i1 to i32
    %cond3A_147 = arith.constant 0 : i32
    %cond3A_148 = arith.cmpi ne, %convert_element_type3A_146, %cond3A_147 : i32
    scf.if %cond3A_148 {
      %swap3A = arith.constant 0 : index
      %swap3A_168 = arith.constant 32 : index
      %swap3A_169 = vector.load %arg4[%swap3A, %swap3A_168] : memref<1024x128xf32, #tpu.memory_space<vmem>>, vector<1024x32xf32>
      tpu.vector_store %arg4[%swap3A, %swap3A_168], %dot_general3A_139 {strides = array<i32>} : memref<1024x128xf32, #tpu.memory_space<vmem>>, vector<1024x32xf32>,
      %swap3A_170 = arith.constant 0 : index
      %swap3A_171 = arith.constant 1 : index
      %swap3A_172 = vector.load %arg3[%swap3A_170, %swap3A_171] : memref<1024x4xi32, #tpu.memory_space<vmem>>, vector<1024x1xi32>
      tpu.vector_store %arg3[%swap3A_170, %swap3A_171], %select_n3A_133 {strides = array<i32>} : memref<1024x4xi32, #tpu.memory_space<vmem>>, vector<1024x1xi32>,
    } else {
    }
    %eq3A_149 = arith.constant 2 : i32
    %eq3A_150 = arith.cmpi eq, %arg0, %eq3A_149 : i32
    %convert_element_type3A_151 = arith.extui %eq3A_150 : i1 to i32
    %cond3A_152 = arith.constant 0 : i32
    %cond3A_153 = arith.cmpi ne, %convert_element_type3A_151, %cond3A_152 : i32
    scf.if %cond3A_153 {
      %swap3A = arith.constant 0 : index
      %swap3A_168 = arith.constant 64 : index
      %swap3A_169 = vector.load %arg4[%swap3A, %swap3A_168] : memref<1024x128xf32, #tpu.memory_space<vmem>>, vector<1024x32xf32>
      tpu.vector_store %arg4[%swap3A, %swap3A_168], %dot_general3A_139 {strides = array<i32>} : memref<1024x128xf32, #tpu.memory_space<vmem>>, vector<1024x32xf32>,
      %swap3A_170 = arith.constant 0 : index
      %swap3A_171 = arith.constant 2 : index
      %swap3A_172 = vector.load %arg3[%swap3A_170, %swap3A_171] : memref<1024x4xi32, #tpu.memory_space<vmem>>, vector<1024x1xi32>
      tpu.vector_store %arg3[%swap3A_170, %swap3A_171], %select_n3A_133 {strides = array<i32>} : memref<1024x4xi32, #tpu.memory_space<vmem>>, vector<1024x1xi32>,
    } else {
    }
    %eq3A_154 = arith.constant 3 : i32
    %eq3A_155 = arith.cmpi eq, %arg0, %eq3A_154 : i32
    %convert_element_type3A_156 = arith.extui %eq3A_155 : i1 to i32
    %cond3A_157 = arith.constant 0 : i32
    %cond3A_158 = arith.cmpi ne, %convert_element_type3A_156, %cond3A_157 : i32
    scf.if %cond3A_158 {
      %swap3A = arith.constant 0 : index
      %swap3A_168 = arith.constant 96 : index
      %swap3A_169 = vector.load %arg4[%swap3A, %swap3A_168] : memref<1024x128xf32, #tpu.memory_space<vmem>>, vector<1024x32xf32>
      tpu.vector_store %arg4[%swap3A, %swap3A_168], %dot_general3A_139 {strides = array<i32>} : memref<1024x128xf32, #tpu.memory_space<vmem>>, vector<1024x32xf32>,
      %swap3A_170 = arith.constant 0 : index
      %swap3A_171 = arith.constant 3 : index
      %swap3A_172 = vector.load %arg3[%swap3A_170, %swap3A_171] : memref<1024x4xi32, #tpu.memory_space<vmem>>, vector<1024x1xi32>
      tpu.vector_store %arg3[%swap3A_170, %swap3A_171], %select_n3A_133 {strides = array<i32>} : memref<1024x4xi32, #tpu.memory_space<vmem>>, vector<1024x1xi32>,
    } else {
    }
    %eq3A_159 = arith.constant 0 : i32
    %eq3A_160 = arith.cmpi eq, %arg0, %eq3A_159 : i32
    %convert_element_type3A_161 = arith.extui %eq3A_160 : i1 to i32
    %cond3A_162 = arith.constant 0 : i32
    %cond3A_163 = arith.cmpi ne, %convert_element_type3A_161, %cond3A_162 : i32
    scf.if %cond3A_163 {
      %swap3A = arith.constant 0 : index
      %swap3A_168 = arith.constant 0 : index
      %swap3A_169 = vector.load %arg5[%swap3A, %swap3A_168] : memref<1024x1xi32, #tpu.memory_space<vmem>>, vector<1024x1xi32>
      tpu.vector_store %arg5[%swap3A, %swap3A_168], %select_n3A_133 {strides = array<i32>} : memref<1024x1xi32, #tpu.memory_space<vmem>>, vector<1024x1xi32>,
    } else {
    }
    %ne3A = arith.constant 0 : i32
    %ne3A_164 = arith.cmpi ne, %arg0, %ne3A : i32
    %convert_element_type3A_165 = arith.extui %ne3A_164 : i1 to i32
    %cond3A_166 = arith.constant 0 : i32
    %cond3A_167 = arith.cmpi ne, %convert_element_type3A_165, %cond3A_166 : i32
    scf.if %cond3A_167 {
      %get3A_168 = arith.constant 0 : index
      %get3A_169 = arith.constant 0 : index
      %get3A_170 = vector.load %arg5[%get3A_168, %get3A_169] : memref<1024x1xi32, #tpu.memory_space<vmem>>, vector<1024x1xi32>
      %mul3A_171 = arith.constant 256 : i32
      %mul3A_172 = vector.broadcast %mul3A_171 : i32 to vector<1024x1xi32>
      %mul3A_173 = arith.muli %get3A_170, %mul3A_172 : vector<1024x1xi32>
      %add3A = arith.addi %mul3A_173, %select_n3A_133 : vector<1024x1xi32>
      %swap3A = arith.constant 0 : index
      %swap3A_174 = arith.constant 0 : index
      %swap3A_175 = vector.load %arg5[%swap3A, %swap3A_174] : memref<1024x1xi32, #tpu.memory_space<vmem>>, vector<1024x1xi32>
      tpu.vector_store %arg5[%swap3A, %swap3A_174], %add3A {strides = array<i32>} : memref<1024x1xi32, #tpu.memory_space<vmem>>, vector<1024x1xi32>,
    } else {
    }
    return
  }
  func.func @transform_0(%arg0: i32) -> (i32, i32, i32) {
    %mul3A = arith.constant 0 : i32
    %mul3A_0 = arith.muli %arg0, %mul3A : i32
    %mul3A_1 = arith.constant 0 : i32
    %mul3A_2 = arith.muli %arg0, %mul3A_1 : i32
    %c0_i32 = arith.constant 0 : i32
    return %arg0, %mul3A_0, %mul3A_2 : i32, i32, i32
  }
  func.func @transform_1(%arg0: i32) -> (i32, i32, i32) {
    %mul3A = arith.constant 0 : i32
    %mul3A_0 = arith.muli %arg0, %mul3A : i32
    %mul3A_1 = arith.constant 0 : i32
    %mul3A_2 = arith.muli %arg0, %mul3A_1 : i32
    %c0_i32 = arith.constant 0 : i32
    return %arg0, %mul3A_0, %mul3A_2 : i32, i32, i32
  }
  func.func @transform_2(%arg0: i32) -> (i32, i32) {
    %mul3A = arith.constant 0 : i32
    %mul3A_0 = arith.muli %arg0, %mul3A : i32
    %mul3A_1 = arith.constant 0 : i32
    %mul3A_2 = arith.muli %arg0, %mul3A_1 : i32
    %c0_i32 = arith.constant 0 : i32
    return %mul3A_0, %mul3A_2 : i32, i32
  }
  func.func @transform_3(%arg0: i32) -> (i32, i32) {
    %mul3A = arith.constant 0 : i32
    %mul3A_0 = arith.muli %arg0, %mul3A : i32
    %mul3A_1 = arith.constant 0 : i32
    %mul3A_2 = arith.muli %arg0, %mul3A_1 : i32
    %c0_i32 = arith.constant 0 : i32
    return %mul3A_0, %mul3A_2 : i32, i32
  }
  func.func @transform_4(%arg0: i32) -> (i32, i32) {
    %mul3A = arith.constant 0 : i32
    %mul3A_0 = arith.muli %arg0, %mul3A : i32
    %mul3A_1 = arith.constant 0 : i32
    %mul3A_2 = arith.muli %arg0, %mul3A_1 : i32
    %c0_i32 = arith.constant 0 : i32
    return %mul3A_0, %mul3A_2 : i32, i32
  }
}

module attributes {stable_mosaic.version = 14 : i64} {
  func.func @_merge_kernel(%arg0: memref<32x1024xi32, #tpu.memory_space<vmem>>, %arg1: memref<1x1024xi32, #tpu.memory_space<vmem>>) attributes {dimension_semantics = [], scalar_prefetch = 0 : i64, scratch_operands = 0 : i64, tpu.core_type = #tpu.core_type<tc>} {
    %get3A = arith.constant 0 : index
    %get3A_0 = arith.constant 0 : index
    %get3A_1 = vector.load %arg0[%get3A, %get3A_0] : memref<32x1024xi32, #tpu.memory_space<vmem>>, vector<32x1024xi32>
    %reduce_max3A = arith.constant dense<-2147483648> : vector<1024xi32>
    %reduce_max3A_2 = vector.multi_reduction <maxsi>, %get3A_1, %reduce_max3A [0] : vector<32x1024xi32> to vector<1024xi32>
    %broadcast_in_dim3A = vector.shape_cast %reduce_max3A_2 : vector<1024xi32> to vector<1x1024xi32>
    %swap3A = arith.constant 0 : index
    %swap3A_3 = arith.constant 0 : index
    %swap3A_4 = vector.load %arg1[%swap3A, %swap3A_3] : memref<1x1024xi32, #tpu.memory_space<vmem>>, vector<1x1024xi32>
    tpu.vector_store %arg1[%swap3A, %swap3A_3], %broadcast_in_dim3A {strides = array<i32>} : memref<1x1024xi32, #tpu.memory_space<vmem>>, vector<1x1024xi32>,
    return
  }
}

</mosaic_0001>

<sc_bundles>
// kernel: kernel.5.cloned.1.call-start
scs
__scs_entry_jumppad:
0x0: {  	(pc) =	sbr.rel $0x88, $3  }
0x1: {  	(tag) =	ssettag $0x0;
	lr =	simm.s32 $0x1  }
0x2: {  	[smem:$0x3F9E] =	sst lr;
	_ =	strace $0xD0000000  }
0x3: {  	_ = 	snop  }
0x4: {  	_ = 	snop  }
0x5: {  	_ = 	snop  }
0x6: {  	_ = 	snop  }
0x7: {  	_ = 	snop  }
__scs_overlays_trampoline_lowered:
0x8: {  	[smem:$0x3FAD] =	sst s0  }
0x9: {  	[smem:$0x3FAE] =	sst s1  }
0xa: {  	[smem:$0x3FAF] =	sst s2  }
0xb: {  	[smem:$0x3FB0] =	sst s3  }
0xc: {  	[smem:$0x3FB1] =	sst s4  }
0xd: {  	[smem:$0x3FB2] =	sst s5  }
0xe: {  	[smem:$0x3FB3] =	sst s6  }
0xf: {  	[smem:$0x3FB4] =	sst s7  }
0x10: {  	[smem:$0x3FB5] =	sst s8  }
0x11: {  	[smem:$0x3FB6] =	sst s9;
	s0 =	simm.s32 @!p0 $0x0  }
0x12: {  	s1 =	sld [smem:$0x3F9C];
	s0 =	simm.s32 @p0 $0x1  }
0x13: {  	[smem:$0x3FB7] =	sst s0;
	s0 =	simm.s32 @!p1 $0x0  }
0x14: {  	s2 =	sld [smem:$0x3F9B];
	s0 =	simm.s32 @p1 $0x1  }
0x15: {  	[smem:$0x3FB8] =	sst s0;
	s0 =	simm.s32 @!p2 $0x0  }
0x16: {  	s3 =	sld [smem:$0x3FDB];
	s0 =	simm.s32 @p2 $0x1  }
0x17: {  	s4 =	simm.s32 $0x1BF5;
	[smem:$0x3FBA] =	sst s0  }
0x18: {  	s0 =	sld [smem:$0x3F9D];
	_ =	swait.ge [sflag:s4], $0x0  }
0x19: {  	s7 =	sld [smem:$0x3F9E]  }
0x1a: {  	s8 =	sadd.s32 $0xFFFFE003, lr  }
0x1b: {  	s9 =	sadd.s32 $0xFFFFFEF7, lr;
	s5 =	simm.s32 $0xFFFFFFFF;
	p2 =	slt.u32 s8, $0xFFFFF086  }
0x1c: {  	p1 =	slt.u32 s9, $0xF7A;
	s5 =	simm.s32 @!p2 $0x0  }
0x1d: {  	s5 =	simm.s32 @p1 $0x1;
	p0 =	seq.s32 s7, s2  }
0x1e: {  	s7 =	smul.u32 @!p0 $0xF7A, s2;
	p2 =	seq.s32 @!p0 s5, $0x0  }
0x1f: {  	s9 =	smul.u32 $0xF7A, s1;
	s8 =	simm.s32 @!p0 $0x1BF5;
	p2 =	por !p2, p0  }
0x20: {  	[sflag:s8] =	ssyncset.s32 @!p0 $0xFFFFF086;
	s6 =	sadd.s32 @!p0 s3, s7;
	s7 =	simm.s32 @!p0 $0x108  }
0x21: {  	s3 =	sadd.s32 s3, s9;
	s6 =	sadd.s32 @!p0 $0x88, s6;
	s7 =	simm.s32 @p2 $0x1082  }
0x22: {  	[simem:s7], [sflag:s8] =	dma.local @!p0 [hbm:s6], $0xF7A  }
0x23: {  	s9 =	sor.u32 $0xD0000000, s2;
	s6 =	simm.s32 $0x108;
	_ =	swait.ge @!p0 [sflag:s8], $0x0  }
0x24: {  	s3 =	sadd.s32 $0x88, s3;
	s6 =	simm.s32 @!p1 $0x1082;
	[sflag:s4] =	ssyncset.s32 $0xFFFFF086  }
0x25: {  	[simem:s6], [sflag:s4] =	dma.local [hbm:s3], $0xF7A  }
0x26: {  	[smem:$0x3F9E] =	sst s1;
	(tag) =	ssettag s2;
	_ =	strace s9  }
0x27: {  	s1 =	sld [smem:$0x3FAE]  }
0x28: {  	s2 =	sld [smem:$0x3FAF]  }
0x29: {  	s4 =	sld [smem:$0x3FB1]  }
0x2a: {  	p0 =	seq.s32 s5, $0x0;
	s5 =	sld [smem:$0x3FB2]  }
0x2b: {  	s6 =	sld [smem:$0x3FB3]  }
0x2c: {  	s7 =	sld [smem:$0x3FB4]  }
0x2d: {  	s3 =	simm.s32 $0x108;
	s8 =	sld [smem:$0x3FB5]  }
0x2e: {  	s3 =	simm.s32 @!p0 $0x1082;
	s9 =	sld [smem:$0x3FB6]  }
0x2f: {  	lr =	sadd.s32 s0, s3;
	s0 =	sld [smem:$0x3FAD]  }
0x30: {  	s3 =	sld [smem:$0x3FB0]  }
0x31: {  	[smem:$0x3FB9] =	sst s10  }
0x32: {  	s10 =	sld [smem:$0x3FB7];
	_ =	sdelay $0x3  }
0x33: {  	p0 =	seq.s32 s10, $0x1;
	s10 =	sld [smem:$0x3FB9];
	_ =	sdelay $0x3  }
0x34: {  	[smem:$0x3FB9] =	sst s10  }
0x35: {  	s10 =	sld [smem:$0x3FB8];
	_ =	sdelay $0x3  }
0x36: {  	p1 =	seq.s32 s10, $0x1;
	s10 =	sld [smem:$0x3FB9];
	_ =	sdelay $0x3  }
0x37: {  	[smem:$0x3FB9] =	sst s10  }
0x38: {  	s10 =	sld [smem:$0x3FBA]  }
0x39: {  	_ = 	snop;
	(pc) =	sbr.ind lr, $3  }
0x3a: {  	_ = 	snop  }
0x3b: {  	_ = 	snop  }
0x3c: {  	p2 =	seq.s32 s10, $0x1;
	s10 =	sld [smem:$0x3FB9]  }
0x3d: {  	_ =	shalt  }
0x3e: {  	_ =	shalt  }
0x3f: {  	_ =	shalt  }
0x40: {  	_ =	shalt  }
0x41: {  	_ =	shalt  }
0x42: {  	_ =	shalt  }
0x43: {  	_ =	shalt  }
0x44: {  	_ =	shalt  }
0x45: {  	_ =	shalt  }
0x46: {  	_ =	shalt  }
0x47: {  	_ =	shalt  }
0x48: {  	_ =	shalt  }
0x49: {  	_ =	shalt  }
0x4a: {  	_ =	shalt  }
0x4b: {  	_ =	shalt  }
0x4c: {  	_ =	shalt  }
0x4d: {  	_ =	shalt  }
0x4e: {  	_ =	shalt  }
0x4f: {  	_ =	shalt  }
0x50: {  	_ =	shalt  }
0x51: {  	_ =	shalt  }
0x52: {  	_ =	shalt  }
0x53: {  	_ =	shalt  }
0x54: {  	_ =	shalt  }
0x55: {  	_ =	shalt  }
0x56: {  	_ =	shalt  }
0x57: {  	_ =	shalt  }
0x58: {  	_ =	shalt  }
0x59: {  	_ =	shalt  }
0x5a: {  	_ =	shalt  }
0x5b: {  	_ =	shalt  }
0x5c: {  	_ =	shalt  }
0x5d: {  	_ =	shalt  }
0x5e: {  	_ =	shalt  }
0x5f: {  	_ =	shalt  }
0x60: {  	_ =	shalt  }
0x61: {  	_ =	shalt  }
0x62: {  	_ =	shalt  }
0x63: {  	_ =	shalt  }
0x64: {  	_ =	shalt  }
0x65: {  	_ =	shalt  }
0x66: {  	_ =	shalt  }
0x67: {  	_ =	shalt  }
0x68: {  	_ =	shalt  }
0x69: {  	_ =	shalt  }
0x6a: {  	_ =	shalt  }
0x6b: {  	_ =	shalt  }
0x6c: {  	_ =	shalt  }
0x6d: {  	_ =	shalt  }
0x6e: {  	_ =	shalt  }
0x6f: {  	_ =	shalt  }
0x70: {  	_ =	shalt  }
0x71: {  	_ =	shalt  }
0x72: {  	_ =	shalt  }
0x73: {  	_ =	shalt  }
0x74: {  	_ =	shalt  }
0x75: {  	_ =	shalt  }
0x76: {  	_ =	shalt  }
0x77: {  	_ =	shalt  }
0x78: {  	_ =	shalt  }
0x79: {  	_ =	shalt  }
0x7a: {  	_ =	shalt  }
0x7b: {  	_ =	shalt  }
0x7c: {  	_ =	shalt  }
0x7d: {  	_ =	shalt  }
0x7e: {  	_ =	shalt  }
0x7f: {  	_ =	shalt  }
0x80: {  	_ =	shalt  }
0x81: {  	_ =	shalt  }
0x82: {  	_ =	shalt  }
0x83: {  	_ =	shalt  }
0x84: {  	_ =	shalt  }
0x85: {  	_ =	shalt  }
0x86: {  	_ =	shalt  }
0x87: {  	_ =	shalt  }
.Lfunc_end0:
.L_simem_size_0:
called_computation_lowered:
.L_overlay_start_0:
0x88: {  	s2 =	sld [smem:$0x3FD9]  }
0x89: {  	s3 =	sld [smem:$0x3FFE];
	_ =	sdelay $0x1  }
0x8a: {  	s1 =	srdreg.scid  }
0x8b: {  	s0 =	sand.u32 $0x1, s1  }
0x8c: {  	s16 =	sshll.u32 s0, $0xA;
	s2 =	sadd.s32 s3, s2  }
0x8d: {  	s2 =	sadd.s32 s2, s16  }
0x8e: {  	[smem:$0x3FC5] =	sst s2  }
0x8f: {  	_ = 	snop  }
0x90: {  	(tm) =	ssettm $0x1  }
0x91: {  	s17 =	sld [smem:$0x3FFB];
	_ =	sdelay $0x3  }
0x92: {  	_ =	strace s17  }
0x93: {  	s2 =	sld [smem:$0x3FFC];
	_ =	sdelay $0x3  }
0x94: {  	_ =	strace s2  }
0x95: {  	s2 =	sld [smem:$0x3FFD];
	_ =	sdelay $0x3  }
0x96: {  	_ =	strace s2  }
0x97: {  	_ =	strace $0x8FFFFFFF  }
0x98: {  	s18 =	sld [smem:$0x3FDB];
	_ =	sdelay $0x1  }
0x99: {  	s19 =	simm.s32 $_scs_section_size  }
0x9a: {  	s4 =	simm.s32 $_size__tile_overlayer_lowered;
	s5 =	simm.s32 $_tile_overlayer_lowered  }
0x9b: {  	s22 =	simm.s32 $0x1BFF;
	s21 =	sshll.u32 s5, $0x1;
	s2 =	sadd.s32 s19, s18  }
0x9c: {  	s6 =	simm.s32 $0x0;
	s20 =	sshll.u32 s4, $0x1;
	s4 =	sadd.s32 s21, s2  }
0x9d: {  	[timem:s6], [sflag:s22] =	dma.local [hbm:s4], s20  }
0x9e: {  	_ =	swait.ge [sflag:s22], s20  }
0x9f: {  	s3 =	ssub.s32 $0x0, s20;
	[sflag:s22] =	ssyncset.done $0x0  }
0xa0: {  	[sflag:s22] =	ssyncadd.s32 s3;
	_ =	sdelay $0x1  }
0xa1: {  	s23 =	simm.s32 $0x1B8B  }
0xa2: {  	_ =	swait.ge [sflag:s23], $0x1  }
0xa3: {  	[sflag:s23] =	ssyncset.done $0x0  }
0xa4: {  	s25 =	simm.s32 $0x1B8E;
	s24 =	sld [smem:$0x3FFE];
	[sflag:s23] =	ssyncadd.s32 $0xFFFFFFFF  }
0xa5: {  	s26 =	simm.s32 $execute0_lowered;
	[smem:$0x3FD2] =	sst s25  }
0xa6: {  	s4 =	sshll.u32 s26, $0x1;
	_ =	strace $0x80000046;
	[dreg:$0x1] =	wrdreg $0xFFFFFFFF  }
0xa7: {  	s28 =	simm.s32 $_size_execute0_lowered;
	s2 =	sadd.s32 s2, s4;
	[dreg:$0x0] =	wrdreg $0x0  }
0xa8: {  	s4 =	sshll.u32 s28, $0x1;
	[dreg:$0x2] =	wrdreg s2  }
0xa9: {  	[dreg:$0x3] =	wrdreg s4  }
0xaa: {  	[dreg:$0x4] =	wrdreg $0xC0  }
0xab: {  	_ =	task [dreg:s6], $0x5FFFF  }
0xac: {  	[dreg:$0x1] =	wrdreg $0xFFFFFFFF  }
0xad: {  	[dreg:$0x0] =	wrdreg $0x60  }
0xae: {  	[dreg:$0x2] =	wrdreg s24  }
0xaf: {  	[dreg:$0x3] =	wrdreg $0x9  }
0xb0: {  	_ =	task.clear_ibuf [dreg:s6], $0x4FFFF;
	_ =	strace $0x90000046  }
0xb1: {  	s29 =	simm.s32 $0x9;
	_ =	strace $0x80000048  }
0xb2: {  	_ =	swait.ge [sflag:s29], $0x1  }
0xb3: {  	[sflag:s29] =	ssyncadd.s32 $0xFFFFFFFF  }
0xb4: {  	_ =	strace $0x90000048  }
0xb5: {  	_ =	sfence  }
0xb6: {  	s30 =	sld [smem:$0x0];
	_ =	sdelay $0x2  }
0xb7: {  	s31 =	sshll.u32 s1, $0xD;
	s1 =	sshrl.u32 s1, $0x2  }
0xb8: {  	s3 =	sand.u32 $0x4000, s31;
	s1 =	sadd.s32 s1, s30  }
0xb9: {  	s0 =	sor.u32 s3, s0;
	s1 =	sshll.u32 s1, $0x11  }
0xba: {  	s0 =	sor.u32 s1, s0  }
0xbb: {  	s0 =	sadd.s32 $0x8F2B, s0  }
0xbc: {  	[sflag:s0] =	ssyncadd.remote.s32 $0x1  }
0xbd: {  	_ =	sfence.sel $0xFFFF  }
0xbe: {  	[dreg:$0x0] =	wrdreg $0xFFFFFFFF;
	(pc) =	sbr.abs _section_cstart, $3  }
0xbf: {  	[dreg:$0x1] =	wrdreg $0xFFFFFFFF  }
0xc0: {  	_ =	task.clear_ibuf [dreg:s6], $0x2FFFF;
	_ =	strace $0x9FFFFFFF  }
0xc1: {  	(tm) =	ssettm $0x7FFFFFFF  }
tec
execute0_lowered:
.L_overlay_start_1:
0x0: {  	(tag) =	ssettag $0x1  }
0x1: {  	s5 =	rddreg [dreg:$0x0]  }
0x2: {  	s0 =	rddreg [dreg:$0x1]  }
0x3: {  	s2 =	simm.s32 $0x0;
	s1 =	stileid.u32;
	s4 =	srdreg.scid  }
0x4: {  	s11 =	simm.s32 $0x1;
	s12 =	simm.s32 $0x400;
	s13 =	simm.s32 $0x1080  }
0x5: {  	s14 =	simm.s32 $0x1D00;
	s15 =	simm.s32 $0x2980;
	s16 =	simm.s32 $0x3600  }
0x6: {  	s17 =	simm.s32 $0x80;
	s18 =	simm.s32 $0x5600;
	s19 =	simm.s32 $0x0  }
0x7: {  	[smem:$0x7FF] =	sst s2;
	s6 =	sand.u32 $0x1, s4;
	s7 =	sshll.u32 s1, $0x1  }
0x8: {  	s3 =	sadd.s32 $0xC800, s5;
	s4 =	sadd.s32 $0xCA00, s5;
	s7 =	sor.u32 s6, s7  }
0x9: {  	s8 =	sshll.u32 s1, $0x8;
	_ =	strace $0x80000047;
	s9 =	smul.u32 $0x190, s7  }
.Ltmp0:
0xa: {  	s8 =	sand.u32 $0xC00, s8;
	s6 =	ssub.s32 $0x2, s6;
	(pc) =	sbr.rel .LBB2_1-.Ltmp0, $4  }
0xb: {  	s8 =	sadd.s32 s8, s5;
	s10 =	sshrl.u32 s6, $0x1;
	s7 =	sshll.u32 s7, $0x4  }
0xc: {  	s10 =	ssub.s32 s6, s10;
	s31 =	sand.u32 $0x70, s7;
	s5 =	sadd.s32 s5, s9  }
0xd: {  	s9 =	sadd.s32 s31, s8;
	s10 =	smax.u32 s10, $0x1;
	s6 =	sadd.s32 $0x3200, s5  }
0xe: {  	v0 =	vimm.s32 $0x0;
	s7 =	sadd.s32 $0x6400, s5;
	s8 =	sadd.s32 $0x9600, s5;
	s9 =	sadd.s32 $0xCE00, s9  }
.LBB2_11:
0xf: {  	s19 =	sadd.s32 $0x1, s19  }
0x10: {  	p0 =	sne.s32 s19, s10  }
.Ltmp1:
0x11: {  	_ = 	snop;
	(pc) =	sbr.rel @!p0 .LBB2_12-.Ltmp1, $4  }
0x12: {  	[hbm4b:s9+s17] =	stream.strided.scatter [tilespmem:s18], [sflag:$0x1], $0x400, s12, s17, $0x38;
	[tilespmem:$0x5A00] =	vst v63  }
0x13: {  	_ =	swait.ge [sflag:s11], $0x400  }
0x14: {  	[sflag:s11] =	ssyncset.done $0x0  }
0x15: {  	[sflag:s11] =	ssyncadd.s32 $0xFFFFFC00  }
.LBB2_1:
0x16: {  	[tilespmem:s2], [sflag:$0x1] =	stream.linear.gather [hbm4b:s3+s2], $0x400, $0x38;
	[tilespmem:$0x5A00] =	vst v63  }
0x17: {  	_ =	swait.ge [sflag:s11], $0x400  }
0x18: {  	[sflag:s11] =	ssyncset.done $0x0  }
0x19: {  	[sflag:s11] =	ssyncadd.s32 $0xFFFFFC00  }
0x1a: {  	[tilespmem:s12], [sflag:$0x1] =	stream.linear.gather [hbm4b:s6+s2], $0xC80, $0x38;
	[tilespmem:$0x5A00] =	vst v63  }
0x1b: {  	_ =	swait.ge [sflag:s11], $0xC80  }
0x1c: {  	[sflag:s11] =	ssyncset.done $0x0  }
0x1d: {  	[sflag:s11] =	ssyncadd.s32 $0xFFFFF380  }
0x1e: {  	[tilespmem:s13], [sflag:$0x1] =	stream.linear.gather [hbm4b:s7+s2], $0xC80, $0x38;
	[tilespmem:$0x5A00] =	vst v63  }
0x1f: {  	_ =	swait.ge [sflag:s11], $0xC80  }
0x20: {  	[sflag:s11] =	ssyncset.done $0x0  }
0x21: {  	[sflag:s11] =	ssyncadd.s32 $0xFFFFF380  }
0x22: {  	[tilespmem:s14], [sflag:$0x1] =	stream.linear.gather [hbm4b:s8+s2], $0xC80, $0x38;
	[tilespmem:$0x5A00] =	vst v63  }
0x23: {  	_ =	swait.ge [sflag:s11], $0xC80  }
0x24: {  	[sflag:s11] =	ssyncset.done $0x0  }
0x25: {  	[sflag:s11] =	ssyncadd.s32 $0xFFFFF380  }
0x26: {  	[tilespmem:s15], [sflag:$0x1] =	stream.linear.gather [hbm4b:s5+s2], $0xC80, $0x38;
	[tilespmem:$0x5A00] =	vst v63  }
0x27: {  	_ =	swait.ge [sflag:s11], $0xC80  }
0x28: {  	[sflag:s11] =	ssyncset.done $0x0  }
.Ltmp2:
0x29: {  	[sflag:s11] =	ssyncadd.s32 $0xFFFFF380;
	(pc) =	sbr.rel .LBB2_2-.Ltmp2, $4  }
0x2a: {  	[tilespmem:s16], [sflag:$0x1] =	stream.linear.gather [hbm4b:s4+s2], $0x2000, $0x38;
	[tilespmem:$0x5A00] =	vst v63  }
0x2b: {  	_ =	swait.ge [sflag:s11], $0x2000  }
0x2c: {  	[sflag:s11] =	ssyncset.done $0x0  }
0x2d: {  	v1 =	vimm.s32 $0x0;
	s20 =	simm.s32 $0x0;
	[sflag:s11] =	ssyncadd.s32 $0xFFFFE000  }
.LBB2_5:
0x2e: {  	s20 =	sadd.s32 $0x1, s20  }
0x2f: {  	p0 =	sne.s32 s20, $0xC8  }
.Ltmp3:
0x30: {  	_ = 	snop;
	(pc) =	sbr.rel @!p0 .LBB2_6-.Ltmp3, $4  }
0x31: {  	vm0 =	veq.s32 v2, $0x80000000  }
0x32: {  	v2 =	vsel vm0, $0x1, v0  }
0x33: {  	vm0 =	vgt.s32 v1, v2  }
0x34: {  	v1 =	vsel vm0, v1, v2  }
.LBB2_2:
0x35: {  	s21 =	sshll.u32 s20, $0x4  }
0x36: {  	v2 =	vld [tilespmem:s21+$0x400]  }
0x37: {  	v3 =	vld [tilespmem:s21+$0x1080];
	_ =	sdelay $0x1  }
0x38: {  	v4 =	vld [tilespmem:s21+$0x1D00];
	_ =	sdelay $0x1  }
0x39: {  	v5 =	vld [tilespmem:s21+$0x2980]  }
0x3a: {  	v2 =	vshll.u32 v2, $0x10;
	v3 =	vshll.u32 v3, $0x8  }
0x3b: {  	v2 =	vadd.s32 v2, v3  }
0x3c: {  	v2 =	vadd.s32 v4, v2  }
0x3d: {  	v2 =	vshll.u32 v2, $0x8  }
0x3e: {  	v2 =	vadd.s32 v5, v2  }
0x3f: {  	v3 =	vmul.u32 $0x9E3779B9, v2;
	_ =	sdelay $0x1  }
0x40: {  	v3 =	vshrl.u32 v3, $0x13;
	_ =	sdelay $0x4  }
0x41: {  	v4 =	vld.idx.msk [tilespmem:v3+s16+$0x0], $0xffff;
	_ =	sdelay $0x4  }
0x42: {  	vm0 =	vne.s32 v2, $0x80000000;
	vm1 =	veq.s32 v4, $0x80000000  }
0x43: {  	vm1 =	vmand vm1, vm0;
	_ =	sdelay $0x5  }
0x44: {  	[tilespmem:v3+s16+$0x0] =	vst.idx.msk vm1, v2  }
0x45: {  	v4 =	vld.idx.msk [tilespmem:v3+s16+$0x0], $0xffff;
	_ =	sdelay $0x4  }
0x46: {  	vm1 =	vne.s32 v4, v2;
	v4 =	vadd.s32 $0x1, v3  }
0x47: {  	vm0 =	vmand vm1, vm0;
	v4 =	vand.u32 $0x1FFF, v4  }
0x48: {  	v4 =	vsel vm0, v4, v3;
	_ =	sdelay $0x4  }
0x49: {  	v3 =	vld.idx.msk [tilespmem:v4+s16+$0x0], $0xffff;
	_ =	sdelay $0x4  }
0x4a: {  	vm1 =	veq.s32 v3, $0x80000000  }
0x4b: {  	vm1 =	vmand vm1, vm0;
	_ =	sdelay $0x5  }
0x4c: {  	[tilespmem:v4+s16+$0x0] =	vst.idx.msk vm1, v2  }
0x4d: {  	v3 =	vld.idx.msk [tilespmem:v4+s16+$0x0], $0xffff;
	_ =	sdelay $0x4  }
0x4e: {  	vm1 =	vne.s32 v3, v2  }
0x4f: {  	vm0 =	vmand vm1, vm0  }
0x50: {  	v3 =	vsel vm0, $0x1, v0  }
0x51: {  	v5 =	vor.u32 $0x80000000, v3  }
0x52: {  	(xrf0) =	vmax.scan.msk.u32 $0xffff, v5;
	_ =	sdelay $0x5  }
0x53: {  	v5, _, _ =	vpop (xrf0)  }
0x54: {  	(v2sf) =	vpush v5, $0xF;
	_ =	sdelay $0xe  }
0x55: {  	s31 =	spop (v2sf)  }
0x56: {  	p0 =	slt.u32 s31, $0x80000001  }
.Ltmp4:
0x57: {  	_ = 	snop;
	(pc) =	sbr.rel @p0 .LBB2_5-.Ltmp4, $1  }
0x58: {  	_ =	sdelay $0x3  }
0x59: {  	v5 =	vadd.s32 $0x1, v4  }
0x5a: {  	v5 =	vand.u32 $0x1FFF, v5  }
0x5b: {  	v4 =	vsel vm0, v5, v4  }
.LBB2_4:
0x5c: {  	v5 =	vld.idx.msk [tilespmem:v4+s16+$0x0], $0xffff;
	_ =	sdelay $0x4  }
0x5d: {  	vm1 =	vne.s32 v3, $0x0;
	vm0 =	veq.s32 v5, $0x80000000  }
0x5e: {  	vm0 =	vmand vm0, vm1;
	_ =	sdelay $0x5  }
0x5f: {  	[tilespmem:v4+s16+$0x0] =	vst.idx.msk vm0, v2  }
0x60: {  	v5 =	vld.idx.msk [tilespmem:v4+s16+$0x0], $0xffff;
	_ =	sdelay $0x4  }
0x61: {  	vm15 =	veq.s32 v5, v2  }
0x62: {  	v3 =	vsel vm15, $0x0, v3  }
0x63: {  	v5 =	vor.u32 $0x80000000, v3  }
0x64: {  	(xrf0) =	vmax.scan.msk.u32 $0xffff, v5;
	_ =	sdelay $0x5  }
0x65: {  	v5, _, _ =	vpop (xrf0)  }
0x66: {  	(v2sf) =	vpush v5, $0xF;
	_ =	sdelay $0xe  }
0x67: {  	s21 =	spop (v2sf)  }
0x68: {  	p0 =	sgt.u32 s21, $0x80000000  }
.Ltmp5:
0x69: {  	_ = 	snop;
	(pc) =	sbr.rel @p0 .LBB2_4-.Ltmp5, $4  }
0x6a: {  	_ = 	snop  }
0x6b: {  	v5 =	vadd.s32 $0x1, v4  }
0x6c: {  	vm0 =	veq.s32 v3, $0x0;
	v5 =	vand.u32 $0x1FFF, v5  }
0x6d: {  	v4 =	vsel vm0, v4, v5  }
.Ltmp6:
0x6e: {  	_ = 	snop;
	(pc) =	sbr.rel .LBB2_5-.Ltmp6, $1  }
0x6f: {  	_ =	sdelay $0x3  }
.LBB2_6:
.Ltmp7:
0x70: {  	(pc) =	sbr.rel .LBB2_7-.Ltmp7, $3  }
0x71: {  	_ =	sdelay $0x1  }
0x72: {  	vm0 =	vne.s32 v1, $0x0  }
0x73: {  	s20 =	simm.s32 $0x0;
	v1 =	vmpcnt.ones.xlane vm0  }
.LBB2_10:
0x74: {  	s20 =	sadd.s32 $0x1, s20  }
0x75: {  	p0 =	sne.s32 s20, $0x40  }
.Ltmp8:
0x76: {  	_ = 	snop;
	(pc) =	sbr.rel @!p0 .LBB2_11-.Ltmp8, $2  }
0x77: {  	_ =	sdelay $0x2  }
0x78: {  	[tilespmem:s21+$0x5600] =	vst v4  }
.LBB2_7:
0x79: {  	s21 =	sshll.u32 s20, $0x4  }
0x7a: {  	v2 =	vld [tilespmem:s21+$0x0];
	_ =	sdelay $0x4  }
0x7b: {  	v3 =	vmul.u32 $0x9E3779B9, v2;
	_ =	sdelay $0x1  }
0x7c: {  	v3 =	vshrl.u32 v3, $0x13;
	_ =	sdelay $0x4  }
0x7d: {  	v4 =	vld.idx.msk [tilespmem:v3+s16+$0x0], $0xffff;
	_ =	sdelay $0x3  }
0x7e: {  	vm0 =	vne.s32 v2, $0x80000000  }
0x7f: {  	v5 =	vsel vm0, $0x1, v0;
	vm12 =	veq.s32 v4, v2  }
0x80: {  	v6 =	vnsel vm12, $0x0, v5  }
0x81: {  	vm13 =	veq.s32 v4, $0x80000000;
	v4 =	vsub.s32 v5, v6  }
0x82: {  	v5 =	vadd.s32 $0x1, v3;
	v4 =	vsel vm13, $0x0, v4  }
0x83: {  	v5 =	vand.u32 $0x1FFF, v5;
	vm0 =	vgt.s32 v4, $0x0  }
0x84: {  	v5 =	vsel vm0, v5, v3;
	_ =	sdelay $0x4  }
0x85: {  	v3 =	vld.idx.msk [tilespmem:v5+s16+$0x0], $0xffff;
	_ =	sdelay $0x4  }
0x86: {  	vm14 =	veq.s32 v3, v2;
	vm1 =	veq.s32 v3, $0x80000000  }
0x87: {  	v7 =	vnsel vm14, $0x0, v4;
	v3 =	vnsel vm1, $0x0, v4  }
0x88: {  	vm0 =	vgt.s32 v7, v3  }
0x89: {  	v3 =	vsel vm0, v7, v3  }
0x8a: {  	v3 =	vsub.s32 v4, v3  }
0x8b: {  	v4 =	vxor.u32 $0x80000000, v3  }
0x8c: {  	(xrf0) =	vmax.scan.msk.u32 $0xffff, v4;
	_ =	sdelay $0x5  }
0x8d: {  	v4, _, _ =	vpop (xrf0)  }
0x8e: {  	(v2sf) =	vpush v4, $0xF;
	_ =	sdelay $0xd  }
0x8f: {  	vm15 =	veq.s32 v2, $0x80000000  }
0x90: {  	v4 =	vsel vm15, $0x1, v0;
	s22 =	spop (v2sf)  }
0x91: {  	vm0 =	vlt.s32 v4, v1;
	p0 =	slt.u32 s22, $0x80000001  }
.Ltmp9:
0x92: {  	v4 =	vsel vm0, v4, v1;
	(pc) =	sbr.rel @p0 .LBB2_10-.Ltmp9, $4  }
0x93: {  	vm0 =	vgt.s32 v4, v6  }
0x94: {  	v4 =	vsel vm0, v4, v6  }
0x95: {  	vm0 =	vgt.s32 v4, v7  }
0x96: {  	v4 =	vsel vm0, v4, v7  }
0x97: {  	v6 =	vadd.s32 $0x1, v5  }
0x98: {  	vm0 =	vgt.s32 v3, $0x0;
	v6 =	vand.u32 $0x1FFF, v6  }
0x99: {  	v5 =	vsel vm0, v6, v5  }
.LBB2_9:
0x9a: {  	v6 =	vld.idx.msk [tilespmem:v5+s16+$0x0], $0xffff;
	_ =	sdelay $0x4  }
0x9b: {  	vm0 =	veq.s32 v6, v2;
	vm1 =	veq.s32 v6, $0x80000000  }
0x9c: {  	v6 =	vnsel vm0, $0x0, v3;
	v7 =	vnsel vm1, $0x0, v3  }
0x9d: {  	vm0 =	vgt.s32 v6, v7  }
0x9e: {  	v7 =	vsel vm0, v6, v7  }
0x9f: {  	v3 =	vsub.s32 v3, v7  }
0xa0: {  	v7 =	vxor.u32 $0x80000000, v3  }
0xa1: {  	(xrf0) =	vmax.scan.msk.u32 $0xffff, v7;
	_ =	sdelay $0x5  }
0xa2: {  	v7, _, _ =	vpop (xrf0)  }
0xa3: {  	(v2sf) =	vpush v7, $0xF;
	_ =	sdelay $0xe  }
0xa4: {  	s22 =	spop (v2sf)  }
0xa5: {  	p0 =	sgt.u32 s22, $0x80000000  }
.Ltmp10:
0xa6: {  	_ = 	snop;
	(pc) =	sbr.rel @p0 .LBB2_9-.Ltmp10, $4  }
0xa7: {  	_ = 	snop  }
0xa8: {  	v7 =	vadd.s32 $0x1, v5  }
0xa9: {  	vm14 =	vgt.s32 v4, v6;
	vm15 =	vgt.s32 v3, $0x0;
	v7 =	vand.u32 $0x1FFF, v7  }
0xaa: {  	v4 =	vsel vm14, v4, v6;
	v5 =	vsel vm15, v7, v5  }
.Ltmp11:
0xab: {  	_ = 	snop;
	(pc) =	sbr.rel .LBB2_10-.Ltmp11, $1  }
0xac: {  	_ =	sdelay $0x3  }
.LBB2_12:
0xad: {  	_ =	sfence.sel $0x180000  }
0xae: {  	[bflag:$0x0] =	sbarrier.arrive $0xFFFF  }
0xaf: {  	p0 =	sne.s32 s1, $0x0;
	_ =	strace $0x90000047  }
0xb0: {  	s0 =	sadd.s32 @!p0 $0x100000, s0;
	[bflag:$0x2] =	sbarrier.arrive $0xFFFF  }
0xb1: {  	[sflag:s0] =	ssyncadd.tile.s32 @!p0 $0x1;
	_ =	shalt  }
.Lfunc_end2:
_tile_overlayer_lowered:
.L_overlay_start_2:
0xb2: {  	(tag) =	ssettag $0x2  }
0xb3: {  	s0 =	rddreg [dreg:$0x0];
	s2 =	stileid.u32  }
0xb4: {  	s1 =	rddreg [dreg:$0x1];
	p0 =	sne.s32 s2, $0x0  }
0xb5: {  	s3 =	rddreg [dreg:$0x2];
	[bflag:$0x3] =	sbarrier.arrive $0xFFFF;
	s2 =	simm.s32 @!p0 $0x1C01  }
0xb6: {  	[timem:s3], [sflag:s2] =	dma.local @!p0 [hbm:s0], s1  }
0xb7: {  	s0 =	simm.s32 @!p0 $0x1  }
0xb8: {  	_ =	swait.ge @!p0 [sflag:s0], s1  }
0xb9: {  	s1 =	ssub.s32 @!p0 $0x0, s1;
	[sflag:s0] =	ssyncset.done @!p0 $0x0  }
0xba: {  	[sflag:s0] =	ssyncadd.s32 @!p0 s1  }
0xbb: {  	[bflag:$0x3] =	sbarrier.arrive $0xFFFF  }
0xbc: {  	_ =	shalt  }

</sc_bundles>
